<compile_context>
chip_gen: v7x
topology: tpu7x:2x2x1
jax: 0.10.2.dev20260603
libtpu: 0.0.44.dev20260713+nightly
codegen_flags: <defaults>
</compile_context>

<pallas_src>
import math

import jax
import jax.numpy as jnp
from jax.experimental import pallas as pl
from jax.experimental.pallas import tpu as pltpu

N_MOL = 100
HIDDEN = 128
NFILT = 128
N_INT = 6
NG = 50
CUTOFF = 0.25
CH = 8
SZ = 128

_DELTA = CUTOFF / (NG - 1)
_COEFF = -0.5 / _DELTA ** 2
_LN2 = math.log(2.0)
_HI = jax.lax.Precision.HIGHEST
_PR = jax.lax.Precision.DEFAULT


def _ssp(x):
    return jnp.maximum(x, 0.0) + jnp.log1p(jnp.exp(-jnp.abs(x))) - _LN2


TD = 128


def _body(sinfo, pos_ref, bcol_ref, zcol_ref, emb_ref,
          W1_ref, b1_ref, W2_ref, b2_ref, lin1_ref, lin2_ref, lin2b_ref,
          intW_ref, intb_ref, o1W_ref, o1b_ref, o2W_ref, o2b_ref,
          out_ref, h_ref, xl_ref, agg_ref):
    i = pl.program_id(0)
    t = pl.program_id(1)
    NP = h_ref.shape[0]
    F = NFILT

    @pl.when(jnp.logical_and(i == 0, t == 0))
    def _init():
        z = zcol_ref[...]
        lane = jax.lax.broadcasted_iota(jnp.int32, (NP, 128), 1)
        onehot = (z == lane).astype(jnp.float32)
        h_ref[...] = jnp.dot(onehot, emb_ref[...], precision=_PR,
                             preferred_element_type=jnp.float32)
        out_ref[...] = jnp.zeros_like(out_ref)
        xl_ref[pl.ds(NP, SZ), :] = jnp.zeros((SZ, NFILT), jnp.float32)

    @pl.when(t == 0)
    def _xl():
        xl_ref[pl.ds(0, NP), :] = jnp.dot(
            h_ref[...], lin1_ref[i], precision=_PR,
            preferred_element_type=jnp.float32)

    dst0 = t * TD
    W1 = W1_ref[i]
    b1 = b1_ref[i]
    W2 = W2_ref[i]
    b2 = b2_ref[i]

    def chunk_body(cc, _):
        c = t * (TD // CH) + cc
        ch0 = dst0 + cc * CH
        pd = pos_ref[pl.ds(ch0, CH), :]
        dst_ids = ch0 + jax.lax.broadcasted_iota(jnp.int32, (CH, 1), 0)
        s0 = sinfo[0, c]
        ns = sinfo[1, c]

        def src_body(k, agg):
            sb = s0 + k * SZ
            psT = pos_ref[pl.ds(sb, SZ), :].T
            d2 = jnp.zeros((CH, SZ), jnp.float32)
            for cd in range(3):
                diff = pd[:, cd:cd + 1] - psT[cd:cd + 1, :]
                d2 = d2 + diff * diff
            dw = pd[:, 3:4] - psT[3:4, :]
            src_ids = sb + jax.lax.broadcasted_iota(jnp.int32, (1, SZ), 1)
            mask = (d2 + dw * dw < CUTOFF * CUTOFF) & (dst_ids != src_ids)
            d = jnp.sqrt(d2)
            cm = 0.5 * (jnp.cos(d * (math.pi / CUTOFF)) + 1.0)
            scale = jnp.where(mask, cm, 0.0)
            off = jax.lax.broadcasted_iota(
                jnp.int32, (1, 1, NG), 2).astype(jnp.float32) * _DELTA
            rbf = jnp.exp(_COEFF * (d[:, :, None] - off) ** 2)
            A = jnp.dot(rbf.reshape(CH * SZ, NG), W1, precision=_PR,
                        preferred_element_type=jnp.float32) + b1
            A = _ssp(A)
            B = jnp.dot(A, W2, precision=_PR,
                        preferred_element_type=jnp.float32) + b2
            xs = xl_ref[pl.ds(sb, SZ), :]
            msg = B.reshape(CH, SZ, F) * scale[:, :, None] * xs[None, :, :]
            return agg + jnp.sum(msg, axis=1)

        aggc = jax.lax.fori_loop(0, ns, src_body,
                                 jnp.zeros((CH, F), jnp.float32))
        agg_ref[pl.ds(cc * CH, CH), :] = aggc
        return 0

    jax.lax.fori_loop(0, TD // CH, chunk_body, 0)
    bd = bcol_ref[pl.ds(dst0, TD), :]
    xc = jnp.dot(agg_ref[...], lin2_ref[i], precision=_PR,
                 preferred_element_type=jnp.float32) + lin2b_ref[i]
    v = jnp.dot(_ssp(xc), intW_ref[i], precision=_PR,
                preferred_element_type=jnp.float32) + intb_ref[i]
    h_new = h_ref[pl.ds(dst0, TD), :] + v
    h_ref[pl.ds(dst0, TD), :] = h_new

    @pl.when(i == N_INT - 1)
    def _readout():
        u = _ssp(jnp.dot(h_new, o1W_ref[...], precision=_PR,
                         preferred_element_type=jnp.float32) + o1b_ref[...])
        h2 = jnp.dot(u, o2W_ref[...], precision=_PR,
                     preferred_element_type=jnp.float32) + o2b_ref[...]
        lane = jax.lax.broadcasted_iota(jnp.int32, (TD, 128), 1)
        onehot = (bd == lane).astype(jnp.float32)
        contrib = jax.lax.dot_general(
            h2, onehot, (((0,), (0,)), ((), ())), precision=_PR,
            preferred_element_type=jnp.float32)
        out_ref[...] += contrib


def _full(shape):
    nd = len(shape)
    return pl.BlockSpec(shape, lambda i, t, s: (0,) * nd)


@jax.jit
def _run(z, pos, batch, emb, mlp_W1, mlp_b1, mlp_W2, mlp_b2, conv_lin1_W,
         conv_lin2_W, conv_lin2_b, int_lin_W, int_lin_b, out1_W, out1_b,
         out2_W, out2_b):
    f32 = jnp.float32
    n = pos.shape[0]
    T = (n + TD - 1) // TD
    NP = T * TD
    NC = NP // CH
    P_ = NP - n

    pos = pos.astype(f32)
    padv = 2.0 + 2.0 * jnp.arange(P_, dtype=f32)
    z_p = jnp.concatenate([z.astype(jnp.int32), jnp.zeros((P_,), jnp.int32)])
    b32 = batch.astype(jnp.int32)
    batch_p = jnp.concatenate([b32, jnp.full((P_,), 127, jnp.int32)])
    tailpos = 1e6 + 1e3 * jnp.arange(SZ, dtype=f32)
    pos_mid = jnp.concatenate([pos, jnp.stack([padv] * 3, axis=1)], axis=0)
    w4 = jnp.concatenate(
        [10.0 * batch_p.astype(f32), jnp.full((SZ,), 1260.0, f32)])
    pos4 = jnp.concatenate(
        [jnp.concatenate([pos_mid, jnp.stack([tailpos] * 3, axis=1)], axis=0),
         w4[:, None]], axis=1)
    bcol = batch_p[:, None]
    zcol = z_p[:, None]
    emb_p = jnp.zeros((128, HIDDEN), f32).at[:emb.shape[0]].set(emb.astype(f32))

    firsts = batch_p[0::CH][:NC]
    lasts = batch_p[CH - 1::CH][:NC]
    lo = jnp.searchsorted(b32, firsts, side='left')
    hi = jnp.searchsorted(b32, lasts, side='right')
    lo8 = ((lo // 8) * 8).astype(jnp.int32)
    ntl = ((hi - lo8 + SZ - 1) // SZ).astype(jnp.int32)
    sinfo = jnp.stack([lo8, jnp.maximum(ntl, 1)])

    b1r = mlp_b1.reshape(N_INT, 1, NFILT).astype(f32)
    b2r = mlp_b2.reshape(N_INT, 1, NFILT).astype(f32)
    lin2b = conv_lin2_b.reshape(N_INT, 1, HIDDEN).astype(f32)
    intb = int_lin_b.reshape(N_INT, 1, HIDDEN).astype(f32)
    o1b = out1_b.reshape(1, -1).astype(f32)
    o2b = out2_b.reshape(1, 1).astype(f32)

    inputs = (pos4, bcol, zcol, emb_p,
              mlp_W1.astype(f32), b1r, mlp_W2.astype(f32), b2r,
              conv_lin1_W.astype(f32), conv_lin2_W.astype(f32), lin2b,
              int_lin_W.astype(f32), intb, out1_W.astype(f32), o1b,
              out2_W.astype(f32), o2b)

    grid_spec = pltpu.PrefetchScalarGridSpec(
        num_scalar_prefetch=1,
        grid=(N_INT, T),
        in_specs=[_full(a.shape) for a in inputs],
        out_specs=pl.BlockSpec((1, 128), lambda i, t, s: (0, 0)),
        scratch_shapes=[pltpu.VMEM((NP, HIDDEN), f32),
                        pltpu.VMEM((NP + SZ, NFILT), f32),
                        pltpu.VMEM((TD, NFILT), f32)],
    )
    out = pl.pallas_call(
        _body,
        grid_spec=grid_spec,
        out_shape=jax.ShapeDtypeStruct((1, 128), f32),
        compiler_params=pltpu.CompilerParams(
            vmem_limit_bytes=100 * 1024 * 1024),
    )(sinfo, *inputs)
    return out[0, :N_MOL]


def kernel(z, pos, batch, emb, mlp_W1, mlp_b1, mlp_W2, mlp_b2, conv_lin1_W,
           conv_lin2_W, conv_lin2_b, int_lin_W, int_lin_b, out1_W, out1_b,
           out2_W, out2_b):
    return _run(z, pos, batch, emb, mlp_W1, mlp_b1, mlp_W2, mlp_b2,
                conv_lin1_W, conv_lin2_W, conv_lin2_b, int_lin_W, int_lin_b,
                out1_W, out1_b, out2_W, out2_b)

# --- scband reference (transcript-rebuilt; emitter-appended) ---
"""Pipeline reference for scband-sch-net-wrapper-2937757630821 (READ-ONLY COPY).

The authoritative reference and input builder live on the scoring server;
editing this copy changes nothing except your own understanding.
"""

import jax, jax.numpy as jnp
import numpy as np

N = 10000
N_MOL = 100
HIDDEN = 128
NFILT = 128
N_INT = 6
NG = 50
CUTOFF = 0.25
MAX_Z = 100


def _ssp(x):
    return jax.nn.softplus(x) - jnp.log(2.0)


def _radius_graph(pos, batch):
    p = np.asarray(pos)
    b = np.asarray(batch)
    sq = (p * p).sum(axis=1)
    d2 = sq[:, None] + sq[None, :] - 2.0 * (p @ p.T)
    mask = (d2 < CUTOFF * CUTOFF) & (b[:, None] == b[None, :])
    np.fill_diagonal(mask, False)
    src, dst = np.nonzero(mask)
    return jnp.asarray(src), jnp.asarray(dst)


def setup_inputs(seed: int = 0):
    key = jax.random.key(seed)
    ks = jax.random.split(key, 12)
    s = 0.08
    z = jax.random.randint(ks[0], (N,), 0, MAX_Z)
    pos = jax.random.uniform(ks[1], (N, 3), dtype=jnp.float32)
    batch = jnp.sort(jax.random.randint(ks[2], (N,), 0, N_MOL))
    emb = jax.random.normal(ks[3], (MAX_Z, HIDDEN), jnp.float32)
    mlp_W1 = jax.random.normal(ks[4], (N_INT, NG, NFILT), jnp.float32) * s
    mlp_b1 = jnp.zeros((N_INT, NFILT), jnp.float32)
    mlp_W2 = jax.random.normal(ks[5], (N_INT, NFILT, NFILT), jnp.float32) * s
    mlp_b2 = jnp.zeros((N_INT, NFILT), jnp.float32)
    conv_lin1_W = jax.random.normal(ks[6], (N_INT, HIDDEN, NFILT), jnp.float32) * s
    conv_lin2_W = jax.random.normal(ks[7], (N_INT, NFILT, HIDDEN), jnp.float32) * s
    conv_lin2_b = jnp.zeros((N_INT, HIDDEN), jnp.float32)
    int_lin_W = jax.random.normal(ks[8], (N_INT, HIDDEN, HIDDEN), jnp.float32) * s
    int_lin_b = jnp.zeros((N_INT, HIDDEN), jnp.float32)
    out1_W = jax.random.normal(ks[9], (HIDDEN, HIDDEN // 2), jnp.float32) * s
    out1_b = jnp.zeros((HIDDEN // 2,), jnp.float32)
    out2_W = jax.random.normal(ks[10], (HIDDEN // 2, 1), jnp.float32) * s
    out2_b = jnp.zeros((1,), jnp.float32)
    return dict(z=z, pos=pos, batch=batch, emb=emb, mlp_W1=mlp_W1, mlp_b1=mlp_b1,
                mlp_W2=mlp_W2, mlp_b2=mlp_b2, conv_lin1_W=conv_lin1_W,
                conv_lin2_W=conv_lin2_W, conv_lin2_b=conv_lin2_b,
                int_lin_W=int_lin_W, int_lin_b=int_lin_b, out1_W=out1_W,
                out1_b=out1_b, out2_W=out2_W, out2_b=out2_b)


def reference(z, pos, batch, emb, mlp_W1, mlp_b1, mlp_W2, mlp_b2, conv_lin1_W,
              conv_lin2_W, conv_lin2_b, int_lin_W, int_lin_b, out1_W, out1_b,
              out2_W, out2_b):
    n = pos.shape[0]
    h = emb[z]
    sq = jnp.sum(pos * pos, axis=1)
    offset = jnp.linspace(0.0, CUTOFF, NG)
    coeff = -0.5 / (offset[1] - offset[0]) ** 2
    iota = jnp.arange(n)
    blk = 50
    blocks = iota.reshape(n // blk, blk)
    for i in range(N_INT):
        xl = h @ conv_lin1_W[i]

        def chunk_fn(jb, W1=mlp_W1[i], b1=mlp_b1[i], W2=mlp_W2[i],
                     b2=mlp_b2[i], xl=xl):
            pj = pos[jb]
            d2 = sq[jb][:, None] + sq[None, :] - 2.0 * jnp.matmul(
                pj, pos.T, precision=jax.lax.Precision.HIGHEST)
            mask = ((d2 < CUTOFF * CUTOFF)
                    & (batch[jb][:, None] == batch[None, :])
                    & (jb[:, None] != iota[None, :]))
            diff = pj[:, None, :] - pos[None, :, :]
            d = jnp.linalg.norm(diff, axis=-1)
            edge_attr = jnp.exp(coeff * (d[:, :, None] - offset[None, None, :]) ** 2)
            Cm = 0.5 * (jnp.cos(d * jnp.pi / CUTOFF) + 1.0)
            W_e = (_ssp(edge_attr @ W1 + b1) @ W2 + b2) * Cm[:, :, None]
            W_e = jnp.where(mask[:, :, None], W_e, 0.0)
            return jnp.sum(xl[None, :, :] * W_e, axis=1)

        agg = jax.lax.map(chunk_fn, blocks).reshape(n, NFILT)
        xc = agg @ conv_lin2_W[i] + conv_lin2_b[i]
        h = h + (_ssp(xc) @ int_lin_W[i] + int_lin_b[i])
    h2 = _ssp(h @ out1_W + out1_b) @ out2_W + out2_b
    out = jax.ops.segment_sum(h2, batch, num_segments=N_MOL)
    return out.reshape(-1)

if __name__ == "__main__":
    import jax
    _d = setup_inputs()
    print(jax.jit(kernel)(*tuple(_d.values())))

</pallas_src>

<mosaic_0001>
module attributes {stable_mosaic.version = 14 : i64} {
  func.func @_body(%arg0: i32, %arg1: i32, %arg2: memref<2x1264xi32, #tpu.memory_space<smem>>, %arg3: memref<10240x4xf32, #tpu.memory_space<vmem>>, %arg4: memref<10112x1xi32, #tpu.memory_space<vmem>>, %arg5: memref<10112x1xi32, #tpu.memory_space<vmem>>, %arg6: memref<128x128xf32, #tpu.memory_space<vmem>>, %arg7: memref<6x50x128xf32, #tpu.memory_space<vmem>>, %arg8: memref<6x1x128xf32, #tpu.memory_space<vmem>>, %arg9: memref<6x128x128xf32, #tpu.memory_space<vmem>>, %arg10: memref<6x1x128xf32, #tpu.memory_space<vmem>>, %arg11: memref<6x128x128xf32, #tpu.memory_space<vmem>>, %arg12: memref<6x128x128xf32, #tpu.memory_space<vmem>>, %arg13: memref<6x1x128xf32, #tpu.memory_space<vmem>>, %arg14: memref<6x128x128xf32, #tpu.memory_space<vmem>>, %arg15: memref<6x1x128xf32, #tpu.memory_space<vmem>>, %arg16: memref<128x64xf32, #tpu.memory_space<vmem>>, %arg17: memref<1x64xf32, #tpu.memory_space<vmem>>, %arg18: memref<64x1xf32, #tpu.memory_space<vmem>>, %arg19: memref<1x1xf32, #tpu.memory_space<vmem>>, %arg20: memref<1x128xf32, #tpu.memory_space<vmem>>, %arg21: memref<10112x128xf32, #tpu.memory_space<vmem>>, %arg22: memref<10240x128xf32, #tpu.memory_space<vmem>>, %arg23: memref<128x128xf32, #tpu.memory_space<vmem>>) attributes {dimension_semantics = [#tpu.dimension_semantics<arbitrary>, #tpu.dimension_semantics<arbitrary>], iteration_bounds = array<i64: 6, 79>, scalar_prefetch = 1 : i64, scratch_operands = 3 : i64, tpu.core_type = #tpu.core_type<tc>, window_params = [{pipeline_mode = #tpu.pipeline_mode<synchronous>, transform_indices = @transform_0, window_bounds = array<i64: 10240, 4>}, {pipeline_mode = #tpu.pipeline_mode<synchronous>, transform_indices = @transform_1, window_bounds = array<i64: 10112, 1>}, {pipeline_mode = #tpu.pipeline_mode<synchronous>, transform_indices = @transform_2, window_bounds = array<i64: 10112, 1>}, {pipeline_mode = #tpu.pipeline_mode<synchronous>, transform_indices = @transform_3, window_bounds = array<i64: 128, 128>}, {pipeline_mode = #tpu.pipeline_mode<synchronous>, transform_indices = @transform_4, window_bounds = array<i64: 6, 50, 128>}, {pipeline_mode = #tpu.pipeline_mode<synchronous>, transform_indices = @transform_5, window_bounds = array<i64: 6, 1, 128>}, {pipeline_mode = #tpu.pipeline_mode<synchronous>, transform_indices = @transform_6, window_bounds = array<i64: 6, 128, 128>}, {pipeline_mode = #tpu.pipeline_mode<synchronous>, transform_indices = @transform_7, window_bounds = array<i64: 6, 1, 128>}, {pipeline_mode = #tpu.pipeline_mode<synchronous>, transform_indices = @transform_8, window_bounds = array<i64: 6, 128, 128>}, {pipeline_mode = #tpu.pipeline_mode<synchronous>, transform_indices = @transform_9, window_bounds = array<i64: 6, 128, 128>}, {pipeline_mode = #tpu.pipeline_mode<synchronous>, transform_indices = @transform_10, window_bounds = array<i64: 6, 1, 128>}, {pipeline_mode = #tpu.pipeline_mode<synchronous>, transform_indices = @transform_11, window_bounds = array<i64: 6, 128, 128>}, {pipeline_mode = #tpu.pipeline_mode<synchronous>, transform_indices = @transform_12, window_bounds = array<i64: 6, 1, 128>}, {pipeline_mode = #tpu.pipeline_mode<synchronous>, transform_indices = @transform_13, window_bounds = array<i64: 128, 64>}, {pipeline_mode = #tpu.pipeline_mode<synchronous>, transform_indices = @transform_14, window_bounds = array<i64: 1, 64>}, {pipeline_mode = #tpu.pipeline_mode<synchronous>, transform_indices = @transform_15, window_bounds = array<i64: 64, 1>}, {pipeline_mode = #tpu.pipeline_mode<synchronous>, transform_indices = @transform_16, window_bounds = array<i64: 1, 1>}, {pipeline_mode = #tpu.pipeline_mode<synchronous>, transform_indices = @transform_17, window_bounds = array<i64: 1, 128>}]} {
    %eq3A = arith.constant 0 : i32
    %eq3A_0 = arith.cmpi eq, %arg0, %eq3A : i32
    %eq3A_1 = arith.constant 0 : i32
    %eq3A_2 = arith.cmpi eq, %arg1, %eq3A_1 : i32
    %and3A = arith.andi %eq3A_0, %eq3A_2 : i1
    %convert_element_type3A = arith.extui %and3A : i1 to i32
    %cond3A = arith.constant 0 : i32
    %cond3A_3 = arith.cmpi ne, %convert_element_type3A, %cond3A : i32
    scf.if %cond3A_3 {
      %get3A_86 = arith.constant 0 : index
      %get3A_87 = arith.constant 0 : index
      %get3A_88 = vector.load %arg5[%get3A_86, %get3A_87] : memref<10112x1xi32, #tpu.memory_space<vmem>>, vector<10112x1xi32>
      %iota3A = tpu.iota {dimensions = array<i32: 1>} : vector<10112x128xi32>
      %eq3A_89 = vector.broadcast %get3A_88 : vector<10112x1xi32> to vector<10112x128xi32>
      %eq3A_90 = arith.cmpi eq, %eq3A_89, %iota3A : vector<10112x128xi32>
      %convert_element_type3A_91 = arith.extui %eq3A_90 : vector<10112x128xi1> to vector<10112x128xi32>
      %convert_element_type3A_92 = arith.sitofp %convert_element_type3A_91 : vector<10112x128xi32> to vector<10112x128xf32>
      %get3A_93 = arith.constant 0 : index
      %get3A_94 = arith.constant 0 : index
      %get3A_95 = vector.load %arg6[%get3A_93, %get3A_94] : memref<128x128xf32, #tpu.memory_space<vmem>>, vector<128x128xf32>
      %dot_general3A_96 = arith.constant dense<0.000000e+00> : vector<10112x128xf32>
      %dot_general3A_97 = tpu.matmul %convert_element_type3A_92, %get3A_95, %dot_general3A_96 {dimension_numbers = #tpu.dot_dimension_numbers<[1], [0], [0], [1], [0, 0, 1, 1], [], []>, transpose_lhs_hint = false} : vector<10112x128xf32>, vector<128x128xf32>, vector<10112x128xf32> -> vector<10112x128xf32>
      %swap3A_98 = arith.constant 0 : index
      %swap3A_99 = arith.constant 0 : index
      %swap3A_100 = vector.load %arg21[%swap3A_98, %swap3A_99] : memref<10112x128xf32, #tpu.memory_space<vmem>>, vector<10112x128xf32>
      tpu.vector_store %arg21[%swap3A_98, %swap3A_99], %dot_general3A_97 {strides = array<i32>} : memref<10112x128xf32, #tpu.memory_space<vmem>>, vector<10112x128xf32>,
      %broadcast_in_dim3A = arith.constant 0.000000e+00 : f32
      %broadcast_in_dim3A_101 = vector.broadcast %broadcast_in_dim3A : f32 to vector<1x128xf32>
      %swap3A_102 = arith.constant 0 : index
      %swap3A_103 = arith.constant 0 : index
      %swap3A_104 = vector.load %arg20[%swap3A_102, %swap3A_103] : memref<1x128xf32, #tpu.memory_space<vmem>>, vector<1x128xf32>
      tpu.vector_store %arg20[%swap3A_102, %swap3A_103], %broadcast_in_dim3A_101 {strides = array<i32>} : memref<1x128xf32, #tpu.memory_space<vmem>>, vector<1x128xf32>,
      %broadcast_in_dim3A_105 = arith.constant 0.000000e+00 : f32
      %broadcast_in_dim3A_106 = vector.broadcast %broadcast_in_dim3A_105 : f32 to vector<128x128xf32>
      %swap3A_107 = arith.constant 10112 : index
      %swap3A_108 = arith.constant 0 : index
      %swap3A_109 = vector.load %arg22[%swap3A_107, %swap3A_108] : memref<10240x128xf32, #tpu.memory_space<vmem>>, vector<128x128xf32>
      tpu.vector_store %arg22[%swap3A_107, %swap3A_108], %broadcast_in_dim3A_106 {strides = array<i32>} : memref<10240x128xf32, #tpu.memory_space<vmem>>, vector<128x128xf32>,
    } else {
    }
    %eq3A_4 = arith.constant 0 : i32
    %eq3A_5 = arith.cmpi eq, %arg1, %eq3A_4 : i32
    %convert_element_type3A_6 = arith.extui %eq3A_5 : i1 to i32
    %cond3A_7 = arith.constant 0 : i32
    %cond3A_8 = arith.cmpi ne, %convert_element_type3A_6, %cond3A_7 : i32
    scf.if %cond3A_8 {
      %get3A_86 = arith.constant 0 : index
      %get3A_87 = arith.constant 0 : index
      %get3A_88 = vector.load %arg21[%get3A_86, %get3A_87] : memref<10112x128xf32, #tpu.memory_space<vmem>>, vector<10112x128xf32>
      %get3A_89 = arith.index_cast %arg0 : i32 to index
      %get3A_90 = arith.constant 0 : index
      %get3A_91 = arith.constant 0 : index
      %get3A_92 = vector.load %arg11[%get3A_89, %get3A_90, %get3A_91] : memref<6x128x128xf32, #tpu.memory_space<vmem>>, vector<1x128x128xf32>
      %get3A_93 = vector.shape_cast %get3A_92 : vector<1x128x128xf32> to vector<128x128xf32>
      %dot_general3A_94 = arith.constant dense<0.000000e+00> : vector<10112x128xf32>
      %dot_general3A_95 = tpu.matmul %get3A_88, %get3A_93, %dot_general3A_94 {dimension_numbers = #tpu.dot_dimension_numbers<[1], [0], [0], [1], [0, 0, 1, 1], [], []>, transpose_lhs_hint = false} : vector<10112x128xf32>, vector<128x128xf32>, vector<10112x128xf32> -> vector<10112x128xf32>
      %swap3A_96 = arith.constant 0 : index
      %swap3A_97 = arith.constant 0 : index
      %swap3A_98 = vector.load %arg22[%swap3A_96, %swap3A_97] : memref<10240x128xf32, #tpu.memory_space<vmem>>, vector<10112x128xf32>
      tpu.vector_store %arg22[%swap3A_96, %swap3A_97], %dot_general3A_95 {strides = array<i32>} : memref<10240x128xf32, #tpu.memory_space<vmem>>, vector<10112x128xf32>,
    } else {
    }
    %mul3A = arith.constant 128 : i32
    %mul3A_9 = arith.muli %arg1, %mul3A : i32
    %get3A = arith.index_cast %arg0 : i32 to index
    %get3A_10 = arith.constant 0 : index
    %get3A_11 = arith.constant 0 : index
    %get3A_12 = vector.load %arg7[%get3A, %get3A_10, %get3A_11] : memref<6x50x128xf32, #tpu.memory_space<vmem>>, vector<1x50x128xf32>
    %get3A_13 = vector.shape_cast %get3A_12 : vector<1x50x128xf32> to vector<50x128xf32>
    %get3A_14 = arith.index_cast %arg0 : i32 to index
    %get3A_15 = arith.constant 0 : index
    %get3A_16 = arith.constant 0 : index
    %get3A_17 = vector.load %arg8[%get3A_14, %get3A_15, %get3A_16] : memref<6x1x128xf32, #tpu.memory_space<vmem>>, vector<1x1x128xf32>
    %get3A_18 = vector.shape_cast %get3A_17 : vector<1x1x128xf32> to vector<1x128xf32>
    %get3A_19 = arith.index_cast %arg0 : i32 to index
    %get3A_20 = arith.constant 0 : index
    %get3A_21 = arith.constant 0 : index
    %get3A_22 = vector.load %arg9[%get3A_19, %get3A_20, %get3A_21] : memref<6x128x128xf32, #tpu.memory_space<vmem>>, vector<1x128x128xf32>
    %get3A_23 = vector.shape_cast %get3A_22 : vector<1x128x128xf32> to vector<128x128xf32>
    %get3A_24 = arith.index_cast %arg0 : i32 to index
    %get3A_25 = arith.constant 0 : index
    %get3A_26 = arith.constant 0 : index
    %get3A_27 = vector.load %arg10[%get3A_24, %get3A_25, %get3A_26] : memref<6x1x128xf32, #tpu.memory_space<vmem>>, vector<1x1x128xf32>
    %get3A_28 = vector.shape_cast %get3A_27 : vector<1x1x128xf32> to vector<1x128xf32>
    %scan3A = arith.constant 0 : i32
    %scan3A_29 = arith.constant 16 : i32
    %scan3A_30 = arith.addi %scan3A, %scan3A_29 : i32
    %scan3A_31 = arith.constant 1 : i32
    scf.for %scan3A_86 = %scan3A to %scan3A_30 step %scan3A_31  : i32 {
      %mul3A_87 = arith.constant 16 : i32
      %mul3A_88 = arith.muli %arg1, %mul3A_87 : i32
      %add3A_89 = arith.addi %mul3A_88, %scan3A_86 : i32
      %mul3A_90 = arith.constant 8 : i32
      %mul3A_91 = arith.muli %scan3A_86, %mul3A_90 : i32
      %add3A_92 = arith.addi %mul3A_9, %mul3A_91 : i32
      %get3A_93 = arith.index_cast %add3A_92 : i32 to index
      %get3A_94 = arith.constant 0 : index
      %get3A_95 = vector.load %arg3[%get3A_93, %get3A_94] : memref<10240x4xf32, #tpu.memory_space<vmem>>, vector<8x4xf32>
      %iota3A = tpu.iota {dimensions = array<i32: 0>} : vector<8x1xi32>
      %add3A_96 = vector.broadcast %add3A_92 : i32 to vector<8x1xi32>
      %add3A_97 = arith.addi %add3A_96, %iota3A : vector<8x1xi32>
      %get3A_98 = arith.constant 0 : index
      %get3A_99 = arith.index_cast %add3A_89 : i32 to index
      %get3A_100 = memref.load %arg2[%get3A_98, %get3A_99] : memref<2x1264xi32, #tpu.memory_space<smem>>
      %get3A_101 = arith.constant 1 : index
      %get3A_102 = arith.index_cast %add3A_89 : i32 to index
      %get3A_103 = memref.load %arg2[%get3A_101, %get3A_102] : memref<2x1264xi32, #tpu.memory_space<smem>>
      %broadcast_in_dim3A = arith.constant 0.000000e+00 : f32
      %broadcast_in_dim3A_104 = vector.broadcast %broadcast_in_dim3A : f32 to vector<8x128xf32>
      %while3A = arith.constant 0 : i32
      %while3A_105 = arith.subi %get3A_103, %while3A : i32
      %while3A_106 = arith.addi %while3A, %while3A_105 : i32
      %while3A_107 = arith.constant 1 : i32
      %while3A_108 = arith.divsi %while3A_105, %while3A_107 : i32
      %while3A_109 = arith.muli %while3A_108, %while3A_107 : i32
      %while3A_110 = arith.addi %while3A, %while3A_109 : i32
      %while3A_111 = arith.constant 1 : i32
      %while3A_112 = scf.for %while3A_120 = %while3A to %while3A_110 step %while3A_111 iter_args(%while3A_121 = %broadcast_in_dim3A_104) -> (vector<8x128xf32>)  : i32 {
        %mul3A_122 = arith.constant 128 : i32
        %mul3A_123 = arith.muli %while3A_120, %mul3A_122 : i32
        %add3A_124 = arith.addi %get3A_100, %mul3A_123 : i32
        %get3A_125 = arith.index_cast %add3A_124 : i32 to index
        %get3A_126 = arith.constant 0 : index
        %get3A_127 = vector.load %arg3[%get3A_125, %get3A_126] : memref<10240x4xf32, #tpu.memory_space<vmem>>, vector<128x4xf32>
        %transpose3A = tpu.transpose %get3A_127, [1, 0] : vector<128x4xf32> -> vector<4x128xf32>
        %broadcast_in_dim3A_128 = arith.constant 0.000000e+00 : f32
        %broadcast_in_dim3A_129 = vector.broadcast %broadcast_in_dim3A_128 : f32 to vector<8x128xf32>
        %slice3A = vector.extract_strided_slice %get3A_95 {offsets = [0, 0], sizes = [8, 1], strides = [1, 1]} : vector<8x4xf32> to vector<8x1xf32>
        %slice3A_130 = vector.extract_strided_slice %transpose3A {offsets = [0, 0], sizes = [1, 128], strides = [1, 1]} : vector<4x128xf32> to vector<1x128xf32>
        %sub3A_131 = vector.broadcast %slice3A : vector<8x1xf32> to vector<8x128xf32>
        %sub3A_132 = vector.broadcast %slice3A_130 : vector<1x128xf32> to vector<8x128xf32>
        %sub3A_133 = arith.subf %sub3A_131, %sub3A_132 : vector<8x128xf32>
        %mul3A_134 = arith.mulf %sub3A_133, %sub3A_133 : vector<8x128xf32>
        %add3A_135 = arith.addf %broadcast_in_dim3A_129, %mul3A_134 : vector<8x128xf32>
        %slice3A_136 = vector.extract_strided_slice %get3A_95 {offsets = [0, 1], sizes = [8, 1], strides = [1, 1]} : vector<8x4xf32> to vector<8x1xf32>
        %slice3A_137 = vector.extract_strided_slice %transpose3A {offsets = [1, 0], sizes = [1, 128], strides = [1, 1]} : vector<4x128xf32> to vector<1x128xf32>
        %sub3A_138 = vector.broadcast %slice3A_136 : vector<8x1xf32> to vector<8x128xf32>
        %sub3A_139 = vector.broadcast %slice3A_137 : vector<1x128xf32> to vector<8x128xf32>
        %sub3A_140 = arith.subf %sub3A_138, %sub3A_139 : vector<8x128xf32>
        %mul3A_141 = arith.mulf %sub3A_140, %sub3A_140 : vector<8x128xf32>
        %add3A_142 = arith.addf %add3A_135, %mul3A_141 : vector<8x128xf32>
        %slice3A_143 = vector.extract_strided_slice %get3A_95 {offsets = [0, 2], sizes = [8, 1], strides = [1, 1]} : vector<8x4xf32> to vector<8x1xf32>
        %slice3A_144 = vector.extract_strided_slice %transpose3A {offsets = [2, 0], sizes = [1, 128], strides = [1, 1]} : vector<4x128xf32> to vector<1x128xf32>
        %sub3A_145 = vector.broadcast %slice3A_143 : vector<8x1xf32> to vector<8x128xf32>
        %sub3A_146 = vector.broadcast %slice3A_144 : vector<1x128xf32> to vector<8x128xf32>
        %sub3A_147 = arith.subf %sub3A_145, %sub3A_146 : vector<8x128xf32>
        %mul3A_148 = arith.mulf %sub3A_147, %sub3A_147 : vector<8x128xf32>
        %add3A_149 = arith.addf %add3A_142, %mul3A_148 : vector<8x128xf32>
        %slice3A_150 = vector.extract_strided_slice %get3A_95 {offsets = [0, 3], sizes = [8, 1], strides = [1, 1]} : vector<8x4xf32> to vector<8x1xf32>
        %slice3A_151 = vector.extract_strided_slice %transpose3A {offsets = [3, 0], sizes = [1, 128], strides = [1, 1]} : vector<4x128xf32> to vector<1x128xf32>
        %sub3A_152 = vector.broadcast %slice3A_150 : vector<8x1xf32> to vector<8x128xf32>
        %sub3A_153 = vector.broadcast %slice3A_151 : vector<1x128xf32> to vector<8x128xf32>
        %sub3A_154 = arith.subf %sub3A_152, %sub3A_153 : vector<8x128xf32>
        %iota3A_155 = tpu.iota {dimensions = array<i32: 1>} : vector<1x128xi32>
        %add3A_156 = vector.broadcast %add3A_124 : i32 to vector<1x128xi32>
        %add3A_157 = arith.addi %add3A_156, %iota3A_155 : vector<1x128xi32>
        %mul3A_158 = arith.mulf %sub3A_154, %sub3A_154 : vector<8x128xf32>
        %add3A_159 = arith.addf %add3A_149, %mul3A_158 : vector<8x128xf32>
        %lt3A = arith.constant 6.250000e-02 : f32
        %lt3A_160 = vector.broadcast %lt3A : f32 to vector<8x128xf32>
        %lt3A_161 = arith.cmpf olt, %add3A_159, %lt3A_160 : vector<8x128xf32>
        %ne3A_162 = vector.broadcast %add3A_97 : vector<8x1xi32> to vector<8x128xi32>
        %ne3A_163 = vector.broadcast %add3A_157 : vector<1x128xi32> to vector<8x128xi32>
        %ne3A_164 = arith.cmpi ne, %ne3A_162, %ne3A_163 : vector<8x128xi32>
        %and3A_165 = arith.andi %lt3A_161, %ne3A_164 : vector<8x128xi1>
        %sqrt3A = math.sqrt %add3A_149 : vector<8x128xf32>
        %mul3A_166 = arith.constant 12.566371 : f32
        %mul3A_167 = vector.broadcast %mul3A_166 : f32 to vector<8x128xf32>
        %mul3A_168 = arith.mulf %sqrt3A, %mul3A_167 : vector<8x128xf32>
        %cos3A = math.cos %mul3A_168 : vector<8x128xf32>
        %add3A_169 = arith.constant 1.000000e+00 : f32
        %add3A_170 = vector.broadcast %add3A_169 : f32 to vector<8x128xf32>
        %add3A_171 = arith.addf %cos3A, %add3A_170 : vector<8x128xf32>
        %mul3A_172 = arith.constant 5.000000e-01 : f32
        %mul3A_173 = vector.broadcast %mul3A_172 : f32 to vector<8x128xf32>
        %mul3A_174 = arith.mulf %mul3A_173, %add3A_171 : vector<8x128xf32>
        %jit3A = arith.constant 0.000000e+00 : f32
        %broadcast_in_dim3A_175 = vector.broadcast %jit3A : f32 to vector<8x128xf32>
        %select_n3A_176 = arith.select %and3A_165, %mul3A_174, %broadcast_in_dim3A_175 : vector<8x128xi1>, vector<8x128xf32>
        %iota3A_177 = tpu.iota {dimensions = array<i32: 2>} : vector<1x1x50xi32>
        %convert_element_type3A_178 = arith.sitofp %iota3A_177 : vector<1x1x50xi32> to vector<1x1x50xf32>
        %mul3A_179 = arith.constant 0.00510204071 : f32
        %mul3A_180 = vector.broadcast %mul3A_179 : f32 to vector<1x1x50xf32>
        %mul3A_181 = arith.mulf %convert_element_type3A_178, %mul3A_180 : vector<1x1x50xf32>
        %broadcast_in_dim3A_182 = vector.shape_cast %sqrt3A : vector<8x128xf32> to vector<8x128x1xf32>
        %sub3A_183 = vector.broadcast %broadcast_in_dim3A_182 : vector<8x128x1xf32> to vector<8x128x50xf32>
        %sub3A_184 = vector.broadcast %mul3A_181 : vector<1x1x50xf32> to vector<8x128x50xf32>
        %sub3A_185 = arith.subf %sub3A_183, %sub3A_184 : vector<8x128x50xf32>
        %integer_pow3A = arith.mulf %sub3A_185, %sub3A_185 : vector<8x128x50xf32>
        %mul3A_186 = arith.constant -1.920800e+04 : f32
        %mul3A_187 = vector.broadcast %mul3A_186 : f32 to vector<8x128x50xf32>
        %mul3A_188 = arith.mulf %mul3A_187, %integer_pow3A : vector<8x128x50xf32>
        %exp3A_189 = math.exp %mul3A_188 : vector<8x128x50xf32>
        %reshape3A = vector.shape_cast %exp3A_189 : vector<8x128x50xf32> to vector<1024x50xf32>
        %dot_general3A_190 = arith.constant dense<0.000000e+00> : vector<1024x128xf32>
        %dot_general3A_191 = tpu.matmul %reshape3A, %get3A_13, %dot_general3A_190 {dimension_numbers = #tpu.dot_dimension_numbers<[1], [0], [0], [1], [0, 0, 1, 1], [], []>, transpose_lhs_hint = false} : vector<1024x50xf32>, vector<50x128xf32>, vector<1024x128xf32> -> vector<1024x128xf32>
        %add3A_192 = vector.broadcast %get3A_18 : vector<1x128xf32> to vector<1024x128xf32>
        %add3A_193 = arith.addf %dot_general3A_191, %add3A_192 : vector<1024x128xf32>
        %custom_jvp_call3A_194 = arith.constant 0.000000e+00 : f32
        %max3A_195 = vector.broadcast %custom_jvp_call3A_194 : f32 to vector<1024x128xf32>
        %max3A_196 = arith.maximumf %add3A_193, %max3A_195 : vector<1024x128xf32>
        %sub3A_197 = vector.broadcast %custom_jvp_call3A_194 : f32 to vector<1024x128xf32>
        %sub3A_198 = arith.subf %add3A_193, %sub3A_197 : vector<1024x128xf32>
        %ne3A_199 = arith.cmpf one, %sub3A_198, %sub3A_198 : vector<1024x128xf32>
        %add3A_200 = vector.broadcast %custom_jvp_call3A_194 : f32 to vector<1024x128xf32>
        %add3A_201 = arith.addf %add3A_193, %add3A_200 : vector<1024x128xf32>
        %abs3A_202 = math.absf %sub3A_198 : vector<1024x128xf32>
        %neg3A_203 = arith.constant 0.000000e+00 : f32
        %neg3A_204 = vector.broadcast %neg3A_203 : f32 to vector<1024x128xf32>
        %neg3A_205 = arith.subf %neg3A_204, %abs3A_202 : vector<1024x128xf32>
        %exp3A_206 = math.exp %neg3A_205 : vector<1024x128xf32>
        %log1p3A_207 = math.log1p %exp3A_206 : vector<1024x128xf32>
        %add3A_208 = arith.addf %max3A_196, %log1p3A_207 : vector<1024x128xf32>
        %select_n3A_209 = arith.select %ne3A_199, %add3A_201, %add3A_208 : vector<1024x128xi1>, vector<1024x128xf32>
        %log3A_210 = arith.constant 2.000000e+00 : f32
        %log3A_211 = math.log %log3A_210 : f32
        %sub3A_212 = vector.broadcast %log3A_211 : f32 to vector<1024x128xf32>
        %sub3A_213 = arith.subf %select_n3A_209, %sub3A_212 : vector<1024x128xf32>
        %dot_general3A_214 = arith.constant dense<0.000000e+00> : vector<1024x128xf32>
        %dot_general3A_215 = tpu.matmul %sub3A_213, %get3A_23, %dot_general3A_214 {dimension_numbers = #tpu.dot_dimension_numbers<[1], [0], [0], [1], [0, 0, 1, 1], [], []>, transpose_lhs_hint = false} : vector<1024x128xf32>, vector<128x128xf32>, vector<1024x128xf32> -> vector<1024x128xf32>
        %add3A_216 = vector.broadcast %get3A_28 : vector<1x128xf32> to vector<1024x128xf32>
        %add3A_217 = arith.addf %dot_general3A_215, %add3A_216 : vector<1024x128xf32>
        %get3A_218 = arith.index_cast %add3A_124 : i32 to index
        %get3A_219 = arith.constant 0 : index
        %get3A_220 = vector.load %arg22[%get3A_218, %get3A_219] : memref<10240x128xf32, #tpu.memory_space<vmem>>, vector<128x128xf32>
        %reshape3A_221 = vector.shape_cast %add3A_217 : vector<1024x128xf32> to vector<8x128x128xf32>
        %broadcast_in_dim3A_222 = vector.shape_cast %select_n3A_176 : vector<8x128xf32> to vector<8x128x1xf32>
        %mul3A_223 = vector.broadcast %broadcast_in_dim3A_222 : vector<8x128x1xf32> to vector<8x128x128xf32>
        %mul3A_224 = arith.mulf %reshape3A_221, %mul3A_223 : vector<8x128x128xf32>
        %broadcast_in_dim3A_225 = vector.shape_cast %get3A_220 : vector<128x128xf32> to vector<1x128x128xf32>
        %mul3A_226 = vector.broadcast %broadcast_in_dim3A_225 : vector<1x128x128xf32> to vector<8x128x128xf32>
        %mul3A_227 = arith.mulf %mul3A_224, %mul3A_226 : vector<8x128x128xf32>
        %reduce_sum3A = arith.constant dense<0.000000e+00> : vector<8x128xf32>
        %reduce_sum3A_228 = vector.multi_reduction <add>, %mul3A_227, %reduce_sum3A [1] : vector<8x128x128xf32> to vector<8x128xf32>
        %add3A_229 = arith.addf %while3A_121, %reduce_sum3A_228 : vector<8x128xf32>
        scf.yield %add3A_229 : vector<8x128xf32>
      }
      %while3A_113 = arith.constant 1 : i32
      %while3A_114 = scf.for %while3A_120 = %while3A_110 to %while3A_106 step %while3A_113 iter_args(%while3A_121 = %while3A_112) -> (vector<8x128xf32>)  : i32 {
        %mul3A_122 = arith.constant 128 : i32
        %mul3A_123 = arith.muli %while3A_120, %mul3A_122 : i32
        %add3A_124 = arith.addi %get3A_100, %mul3A_123 : i32
        %get3A_125 = arith.index_cast %add3A_124 : i32 to index
        %get3A_126 = arith.constant 0 : index
        %get3A_127 = vector.load %arg3[%get3A_125, %get3A_126] : memref<10240x4xf32, #tpu.memory_space<vmem>>, vector<128x4xf32>
        %transpose3A = tpu.transpose %get3A_127, [1, 0] : vector<128x4xf32> -> vector<4x128xf32>
        %broadcast_in_dim3A_128 = arith.constant 0.000000e+00 : f32
        %broadcast_in_dim3A_129 = vector.broadcast %broadcast_in_dim3A_128 : f32 to vector<8x128xf32>
        %slice3A = vector.extract_strided_slice %get3A_95 {offsets = [0, 0], sizes = [8, 1], strides = [1, 1]} : vector<8x4xf32> to vector<8x1xf32>
        %slice3A_130 = vector.extract_strided_slice %transpose3A {offsets = [0, 0], sizes = [1, 128], strides = [1, 1]} : vector<4x128xf32> to vector<1x128xf32>
        %sub3A_131 = vector.broadcast %slice3A : vector<8x1xf32> to vector<8x128xf32>
        %sub3A_132 = vector.broadcast %slice3A_130 : vector<1x128xf32> to vector<8x128xf32>
        %sub3A_133 = arith.subf %sub3A_131, %sub3A_132 : vector<8x128xf32>
        %mul3A_134 = arith.mulf %sub3A_133, %sub3A_133 : vector<8x128xf32>
        %add3A_135 = arith.addf %broadcast_in_dim3A_129, %mul3A_134 : vector<8x128xf32>
        %slice3A_136 = vector.extract_strided_slice %get3A_95 {offsets = [0, 1], sizes = [8, 1], strides = [1, 1]} : vector<8x4xf32> to vector<8x1xf32>
        %slice3A_137 = vector.extract_strided_slice %transpose3A {offsets = [1, 0], sizes = [1, 128], strides = [1, 1]} : vector<4x128xf32> to vector<1x128xf32>
        %sub3A_138 = vector.broadcast %slice3A_136 : vector<8x1xf32> to vector<8x128xf32>
        %sub3A_139 = vector.broadcast %slice3A_137 : vector<1x128xf32> to vector<8x128xf32>
        %sub3A_140 = arith.subf %sub3A_138, %sub3A_139 : vector<8x128xf32>
        %mul3A_141 = arith.mulf %sub3A_140, %sub3A_140 : vector<8x128xf32>
        %add3A_142 = arith.addf %add3A_135, %mul3A_141 : vector<8x128xf32>
        %slice3A_143 = vector.extract_strided_slice %get3A_95 {offsets = [0, 2], sizes = [8, 1], strides = [1, 1]} : vector<8x4xf32> to vector<8x1xf32>
        %slice3A_144 = vector.extract_strided_slice %transpose3A {offsets = [2, 0], sizes = [1, 128], strides = [1, 1]} : vector<4x128xf32> to vector<1x128xf32>
        %sub3A_145 = vector.broadcast %slice3A_143 : vector<8x1xf32> to vector<8x128xf32>
        %sub3A_146 = vector.broadcast %slice3A_144 : vector<1x128xf32> to vector<8x128xf32>
        %sub3A_147 = arith.subf %sub3A_145, %sub3A_146 : vector<8x128xf32>
        %mul3A_148 = arith.mulf %sub3A_147, %sub3A_147 : vector<8x128xf32>
        %add3A_149 = arith.addf %add3A_142, %mul3A_148 : vector<8x128xf32>
        %slice3A_150 = vector.extract_strided_slice %get3A_95 {offsets = [0, 3], sizes = [8, 1], strides = [1, 1]} : vector<8x4xf32> to vector<8x1xf32>
        %slice3A_151 = vector.extract_strided_slice %transpose3A {offsets = [3, 0], sizes = [1, 128], strides = [1, 1]} : vector<4x128xf32> to vector<1x128xf32>
        %sub3A_152 = vector.broadcast %slice3A_150 : vector<8x1xf32> to vector<8x128xf32>
        %sub3A_153 = vector.broadcast %slice3A_151 : vector<1x128xf32> to vector<8x128xf32>
        %sub3A_154 = arith.subf %sub3A_152, %sub3A_153 : vector<8x128xf32>
        %iota3A_155 = tpu.iota {dimensions = array<i32: 1>} : vector<1x128xi32>
        %add3A_156 = vector.broadcast %add3A_124 : i32 to vector<1x128xi32>
        %add3A_157 = arith.addi %add3A_156, %iota3A_155 : vector<1x128xi32>
        %mul3A_158 = arith.mulf %sub3A_154, %sub3A_154 : vector<8x128xf32>
        %add3A_159 = arith.addf %add3A_149, %mul3A_158 : vector<8x128xf32>
        %lt3A = arith.constant 6.250000e-02 : f32
        %lt3A_160 = vector.broadcast %lt3A : f32 to vector<8x128xf32>
        %lt3A_161 = arith.cmpf olt, %add3A_159, %lt3A_160 : vector<8x128xf32>
        %ne3A_162 = vector.broadcast %add3A_97 : vector<8x1xi32> to vector<8x128xi32>
        %ne3A_163 = vector.broadcast %add3A_157 : vector<1x128xi32> to vector<8x128xi32>
        %ne3A_164 = arith.cmpi ne, %ne3A_162, %ne3A_163 : vector<8x128xi32>
        %and3A_165 = arith.andi %lt3A_161, %ne3A_164 : vector<8x128xi1>
        %sqrt3A = math.sqrt %add3A_149 : vector<8x128xf32>
        %mul3A_166 = arith.constant 12.566371 : f32
        %mul3A_167 = vector.broadcast %mul3A_166 : f32 to vector<8x128xf32>
        %mul3A_168 = arith.mulf %sqrt3A, %mul3A_167 : vector<8x128xf32>
        %cos3A = math.cos %mul3A_168 : vector<8x128xf32>
        %add3A_169 = arith.constant 1.000000e+00 : f32
        %add3A_170 = vector.broadcast %add3A_169 : f32 to vector<8x128xf32>
        %add3A_171 = arith.addf %cos3A, %add3A_170 : vector<8x128xf32>
        %mul3A_172 = arith.constant 5.000000e-01 : f32
        %mul3A_173 = vector.broadcast %mul3A_172 : f32 to vector<8x128xf32>
        %mul3A_174 = arith.mulf %mul3A_173, %add3A_171 : vector<8x128xf32>
        %jit3A = arith.constant 0.000000e+00 : f32
        %broadcast_in_dim3A_175 = vector.broadcast %jit3A : f32 to vector<8x128xf32>
        %select_n3A_176 = arith.select %and3A_165, %mul3A_174, %broadcast_in_dim3A_175 : vector<8x128xi1>, vector<8x128xf32>
        %iota3A_177 = tpu.iota {dimensions = array<i32: 2>} : vector<1x1x50xi32>
        %convert_element_type3A_178 = arith.sitofp %iota3A_177 : vector<1x1x50xi32> to vector<1x1x50xf32>
        %mul3A_179 = arith.constant 0.00510204071 : f32
        %mul3A_180 = vector.broadcast %mul3A_179 : f32 to vector<1x1x50xf32>
        %mul3A_181 = arith.mulf %convert_element_type3A_178, %mul3A_180 : vector<1x1x50xf32>
        %broadcast_in_dim3A_182 = vector.shape_cast %sqrt3A : vector<8x128xf32> to vector<8x128x1xf32>
        %sub3A_183 = vector.broadcast %broadcast_in_dim3A_182 : vector<8x128x1xf32> to vector<8x128x50xf32>
        %sub3A_184 = vector.broadcast %mul3A_181 : vector<1x1x50xf32> to vector<8x128x50xf32>
        %sub3A_185 = arith.subf %sub3A_183, %sub3A_184 : vector<8x128x50xf32>
        %integer_pow3A = arith.mulf %sub3A_185, %sub3A_185 : vector<8x128x50xf32>
        %mul3A_186 = arith.constant -1.920800e+04 : f32
        %mul3A_187 = vector.broadcast %mul3A_186 : f32 to vector<8x128x50xf32>
        %mul3A_188 = arith.mulf %mul3A_187, %integer_pow3A : vector<8x128x50xf32>
        %exp3A_189 = math.exp %mul3A_188 : vector<8x128x50xf32>
        %reshape3A = vector.shape_cast %exp3A_189 : vector<8x128x50xf32> to vector<1024x50xf32>
        %dot_general3A_190 = arith.constant dense<0.000000e+00> : vector<1024x128xf32>
        %dot_general3A_191 = tpu.matmul %reshape3A, %get3A_13, %dot_general3A_190 {dimension_numbers = #tpu.dot_dimension_numbers<[1], [0], [0], [1], [0, 0, 1, 1], [], []>, transpose_lhs_hint = false} : vector<1024x50xf32>, vector<50x128xf32>, vector<1024x128xf32> -> vector<1024x128xf32>
        %add3A_192 = vector.broadcast %get3A_18 : vector<1x128xf32> to vector<1024x128xf32>
        %add3A_193 = arith.addf %dot_general3A_191, %add3A_192 : vector<1024x128xf32>
        %custom_jvp_call3A_194 = arith.constant 0.000000e+00 : f32
        %max3A_195 = vector.broadcast %custom_jvp_call3A_194 : f32 to vector<1024x128xf32>
        %max3A_196 = arith.maximumf %add3A_193, %max3A_195 : vector<1024x128xf32>
        %sub3A_197 = vector.broadcast %custom_jvp_call3A_194 : f32 to vector<1024x128xf32>
        %sub3A_198 = arith.subf %add3A_193, %sub3A_197 : vector<1024x128xf32>
        %ne3A_199 = arith.cmpf one, %sub3A_198, %sub3A_198 : vector<1024x128xf32>
        %add3A_200 = vector.broadcast %custom_jvp_call3A_194 : f32 to vector<1024x128xf32>
        %add3A_201 = arith.addf %add3A_193, %add3A_200 : vector<1024x128xf32>
        %abs3A_202 = math.absf %sub3A_198 : vector<1024x128xf32>
        %neg3A_203 = arith.constant 0.000000e+00 : f32
        %neg3A_204 = vector.broadcast %neg3A_203 : f32 to vector<1024x128xf32>
        %neg3A_205 = arith.subf %neg3A_204, %abs3A_202 : vector<1024x128xf32>
        %exp3A_206 = math.exp %neg3A_205 : vector<1024x128xf32>
        %log1p3A_207 = math.log1p %exp3A_206 : vector<1024x128xf32>
        %add3A_208 = arith.addf %max3A_196, %log1p3A_207 : vector<1024x128xf32>
        %select_n3A_209 = arith.select %ne3A_199, %add3A_201, %add3A_208 : vector<1024x128xi1>, vector<1024x128xf32>
        %log3A_210 = arith.constant 2.000000e+00 : f32
        %log3A_211 = math.log %log3A_210 : f32
        %sub3A_212 = vector.broadcast %log3A_211 : f32 to vector<1024x128xf32>
        %sub3A_213 = arith.subf %select_n3A_209, %sub3A_212 : vector<1024x128xf32>
        %dot_general3A_214 = arith.constant dense<0.000000e+00> : vector<1024x128xf32>
        %dot_general3A_215 = tpu.matmul %sub3A_213, %get3A_23, %dot_general3A_214 {dimension_numbers = #tpu.dot_dimension_numbers<[1], [0], [0], [1], [0, 0, 1, 1], [], []>, transpose_lhs_hint = false} : vector<1024x128xf32>, vector<128x128xf32>, vector<1024x128xf32> -> vector<1024x128xf32>
        %add3A_216 = vector.broadcast %get3A_28 : vector<1x128xf32> to vector<1024x128xf32>
        %add3A_217 = arith.addf %dot_general3A_215, %add3A_216 : vector<1024x128xf32>
        %get3A_218 = arith.index_cast %add3A_124 : i32 to index
        %get3A_219 = arith.constant 0 : index
        %get3A_220 = vector.load %arg22[%get3A_218, %get3A_219] : memref<10240x128xf32, #tpu.memory_space<vmem>>, vector<128x128xf32>
        %reshape3A_221 = vector.shape_cast %add3A_217 : vector<1024x128xf32> to vector<8x128x128xf32>
        %broadcast_in_dim3A_222 = vector.shape_cast %select_n3A_176 : vector<8x128xf32> to vector<8x128x1xf32>
        %mul3A_223 = vector.broadcast %broadcast_in_dim3A_222 : vector<8x128x1xf32> to vector<8x128x128xf32>
        %mul3A_224 = arith.mulf %reshape3A_221, %mul3A_223 : vector<8x128x128xf32>
        %broadcast_in_dim3A_225 = vector.shape_cast %get3A_220 : vector<128x128xf32> to vector<1x128x128xf32>
        %mul3A_226 = vector.broadcast %broadcast_in_dim3A_225 : vector<1x128x128xf32> to vector<8x128x128xf32>
        %mul3A_227 = arith.mulf %mul3A_224, %mul3A_226 : vector<8x128x128xf32>
        %reduce_sum3A = arith.constant dense<0.000000e+00> : vector<8x128xf32>
        %reduce_sum3A_228 = vector.multi_reduction <add>, %mul3A_227, %reduce_sum3A [1] : vector<8x128x128xf32> to vector<8x128xf32>
        %add3A_229 = arith.addf %while3A_121, %reduce_sum3A_228 : vector<8x128xf32>
        scf.yield %add3A_229 : vector<8x128xf32>
      }
      %mul3A_115 = arith.constant 8 : i32
      %mul3A_116 = arith.muli %scan3A_86, %mul3A_115 : i32
      %swap3A_117 = arith.index_cast %mul3A_116 : i32 to index
      %swap3A_118 = arith.constant 0 : index
      %swap3A_119 = vector.load %arg23[%swap3A_117, %swap3A_118] : memref<128x128xf32, #tpu.memory_space<vmem>>, vector<8x128xf32>
      tpu.vector_store %arg23[%swap3A_117, %swap3A_118], %while3A_114 {strides = array<i32>} : memref<128x128xf32, #tpu.memory_space<vmem>>, vector<8x128xf32>,
    }
    %scan3A_32 = arith.constant 16 : i32
    %get3A_33 = arith.index_cast %mul3A_9 : i32 to index
    %get3A_34 = arith.constant 0 : index
    %get3A_35 = vector.load %arg4[%get3A_33, %get3A_34] : memref<10112x1xi32, #tpu.memory_space<vmem>>, vector<128x1xi32>
    %get3A_36 = arith.constant 0 : index
    %get3A_37 = arith.constant 0 : index
    %get3A_38 = vector.load %arg23[%get3A_36, %get3A_37] : memref<128x128xf32, #tpu.memory_space<vmem>>, vector<128x128xf32>
    %get3A_39 = arith.index_cast %arg0 : i32 to index
    %get3A_40 = arith.constant 0 : index
    %get3A_41 = arith.constant 0 : index
    %get3A_42 = vector.load %arg12[%get3A_39, %get3A_40, %get3A_41] : memref<6x128x128xf32, #tpu.memory_space<vmem>>, vector<1x128x128xf32>
    %get3A_43 = vector.shape_cast %get3A_42 : vector<1x128x128xf32> to vector<128x128xf32>
    %dot_general3A = arith.constant dense<0.000000e+00> : vector<128x128xf32>
    %dot_general3A_44 = tpu.matmul %get3A_38, %get3A_43, %dot_general3A {dimension_numbers = #tpu.dot_dimension_numbers<[1], [0], [0], [1], [0, 0, 1, 1], [], []>, transpose_lhs_hint = false} : vector<128x128xf32>, vector<128x128xf32>, vector<128x128xf32> -> vector<128x128xf32>
    %get3A_45 = arith.index_cast %arg0 : i32 to index
    %get3A_46 = arith.constant 0 : index
    %get3A_47 = arith.constant 0 : index
    %get3A_48 = vector.load %arg13[%get3A_45, %get3A_46, %get3A_47] : memref<6x1x128xf32, #tpu.memory_space<vmem>>, vector<1x1x128xf32>
    %get3A_49 = vector.shape_cast %get3A_48 : vector<1x1x128xf32> to vector<1x128xf32>
    %add3A = vector.broadcast %get3A_49 : vector<1x128xf32> to vector<128x128xf32>
    %add3A_50 = arith.addf %dot_general3A_44, %add3A : vector<128x128xf32>
    %custom_jvp_call3A = arith.constant 0.000000e+00 : f32
    %max3A = vector.broadcast %custom_jvp_call3A : f32 to vector<128x128xf32>
    %max3A_51 = arith.maximumf %add3A_50, %max3A : vector<128x128xf32>
    %sub3A = vector.broadcast %custom_jvp_call3A : f32 to vector<128x128xf32>
    %sub3A_52 = arith.subf %add3A_50, %sub3A : vector<128x128xf32>
    %ne3A = arith.cmpf one, %sub3A_52, %sub3A_52 : vector<128x128xf32>
    %add3A_53 = vector.broadcast %custom_jvp_call3A : f32 to vector<128x128xf32>
    %add3A_54 = arith.addf %add3A_50, %add3A_53 : vector<128x128xf32>
    %abs3A = math.absf %sub3A_52 : vector<128x128xf32>
    %neg3A = arith.constant 0.000000e+00 : f32
    %neg3A_55 = vector.broadcast %neg3A : f32 to vector<128x128xf32>
    %neg3A_56 = arith.subf %neg3A_55, %abs3A : vector<128x128xf32>
    %exp3A = math.exp %neg3A_56 : vector<128x128xf32>
    %log1p3A = math.log1p %exp3A : vector<128x128xf32>
    %add3A_57 = arith.addf %max3A_51, %log1p3A : vector<128x128xf32>
    %select_n3A = arith.select %ne3A, %add3A_54, %add3A_57 : vector<128x128xi1>, vector<128x128xf32>
    %log3A = arith.constant 2.000000e+00 : f32
    %log3A_58 = math.log %log3A : f32
    %sub3A_59 = vector.broadcast %log3A_58 : f32 to vector<128x128xf32>
    %sub3A_60 = arith.subf %select_n3A, %sub3A_59 : vector<128x128xf32>
    %get3A_61 = arith.index_cast %arg0 : i32 to index
    %get3A_62 = arith.constant 0 : index
    %get3A_63 = arith.constant 0 : index
    %get3A_64 = vector.load %arg14[%get3A_61, %get3A_62, %get3A_63] : memref<6x128x128xf32, #tpu.memory_space<vmem>>, vector<1x128x128xf32>
    %get3A_65 = vector.shape_cast %get3A_64 : vector<1x128x128xf32> to vector<128x128xf32>
    %dot_general3A_66 = arith.constant dense<0.000000e+00> : vector<128x128xf32>
    %dot_general3A_67 = tpu.matmul %sub3A_60, %get3A_65, %dot_general3A_66 {dimension_numbers = #tpu.dot_dimension_numbers<[1], [0], [0], [1], [0, 0, 1, 1], [], []>, transpose_lhs_hint = false} : vector<128x128xf32>, vector<128x128xf32>, vector<128x128xf32> -> vector<128x128xf32>
    %get3A_68 = arith.index_cast %arg0 : i32 to index
    %get3A_69 = arith.constant 0 : index
    %get3A_70 = arith.constant 0 : index
    %get3A_71 = vector.load %arg15[%get3A_68, %get3A_69, %get3A_70] : memref<6x1x128xf32, #tpu.memory_space<vmem>>, vector<1x1x128xf32>
    %get3A_72 = vector.shape_cast %get3A_71 : vector<1x1x128xf32> to vector<1x128xf32>
    %add3A_73 = vector.broadcast %get3A_72 : vector<1x128xf32> to vector<128x128xf32>
    %add3A_74 = arith.addf %dot_general3A_67, %add3A_73 : vector<128x128xf32>
    %get3A_75 = arith.index_cast %mul3A_9 : i32 to index
    %get3A_76 = arith.constant 0 : index
    %get3A_77 = vector.load %arg21[%get3A_75, %get3A_76] : memref<10112x128xf32, #tpu.memory_space<vmem>>, vector<128x128xf32>
    %add3A_78 = arith.addf %get3A_77, %add3A_74 : vector<128x128xf32>
    %swap3A = arith.index_cast %mul3A_9 : i32 to index
    %swap3A_79 = arith.constant 0 : index
    %swap3A_80 = vector.load %arg21[%swap3A, %swap3A_79] : memref<10112x128xf32, #tpu.memory_space<vmem>>, vector<128x128xf32>
    tpu.vector_store %arg21[%swap3A, %swap3A_79], %add3A_78 {strides = array<i32>} : memref<10112x128xf32, #tpu.memory_space<vmem>>, vector<128x128xf32>,
    %eq3A_81 = arith.constant 5 : i32
    %eq3A_82 = arith.cmpi eq, %arg0, %eq3A_81 : i32
    %convert_element_type3A_83 = arith.extui %eq3A_82 : i1 to i32
    %cond3A_84 = arith.constant 0 : i32
    %cond3A_85 = arith.cmpi ne, %convert_element_type3A_83, %cond3A_84 : i32
    scf.if %cond3A_85 {
      %get3A_86 = arith.constant 0 : index
      %get3A_87 = arith.constant 0 : index
      %get3A_88 = vector.load %arg16[%get3A_86, %get3A_87] : memref<128x64xf32, #tpu.memory_space<vmem>>, vector<128x64xf32>
      %dot_general3A_89 = arith.constant dense<0.000000e+00> : vector<128x64xf32>
      %dot_general3A_90 = tpu.matmul %add3A_78, %get3A_88, %dot_general3A_89 {dimension_numbers = #tpu.dot_dimension_numbers<[1], [0], [0], [1], [0, 0, 1, 1], [], []>, transpose_lhs_hint = false} : vector<128x128xf32>, vector<128x64xf32>, vector<128x64xf32> -> vector<128x64xf32>
      %get3A_91 = arith.constant 0 : index
      %get3A_92 = arith.constant 0 : index
      %get3A_93 = vector.load %arg17[%get3A_91, %get3A_92] : memref<1x64xf32, #tpu.memory_space<vmem>>, vector<1x64xf32>
      %add3A_94 = vector.broadcast %get3A_93 : vector<1x64xf32> to vector<128x64xf32>
      %add3A_95 = arith.addf %dot_general3A_90, %add3A_94 : vector<128x64xf32>
      %custom_jvp_call3A_96 = arith.constant 0.000000e+00 : f32
      %max3A_97 = vector.broadcast %custom_jvp_call3A_96 : f32 to vector<128x64xf32>
      %max3A_98 = arith.maximumf %add3A_95, %max3A_97 : vector<128x64xf32>
      %sub3A_99 = vector.broadcast %custom_jvp_call3A_96 : f32 to vector<128x64xf32>
      %sub3A_100 = arith.subf %add3A_95, %sub3A_99 : vector<128x64xf32>
      %ne3A_101 = arith.cmpf one, %sub3A_100, %sub3A_100 : vector<128x64xf32>
      %add3A_102 = vector.broadcast %custom_jvp_call3A_96 : f32 to vector<128x64xf32>
      %add3A_103 = arith.addf %add3A_95, %add3A_102 : vector<128x64xf32>
      %abs3A_104 = math.absf %sub3A_100 : vector<128x64xf32>
      %neg3A_105 = arith.constant 0.000000e+00 : f32
      %neg3A_106 = vector.broadcast %neg3A_105 : f32 to vector<128x64xf32>
      %neg3A_107 = arith.subf %neg3A_106, %abs3A_104 : vector<128x64xf32>
      %exp3A_108 = math.exp %neg3A_107 : vector<128x64xf32>
      %log1p3A_109 = math.log1p %exp3A_108 : vector<128x64xf32>
      %add3A_110 = arith.addf %max3A_98, %log1p3A_109 : vector<128x64xf32>
      %select_n3A_111 = arith.select %ne3A_101, %add3A_103, %add3A_110 : vector<128x64xi1>, vector<128x64xf32>
      %log3A_112 = arith.constant 2.000000e+00 : f32
      %log3A_113 = math.log %log3A_112 : f32
      %sub3A_114 = vector.broadcast %log3A_113 : f32 to vector<128x64xf32>
      %sub3A_115 = arith.subf %select_n3A_111, %sub3A_114 : vector<128x64xf32>
      %get3A_116 = arith.constant 0 : index
      %get3A_117 = arith.constant 0 : index
      %get3A_118 = vector.load %arg18[%get3A_116, %get3A_117] : memref<64x1xf32, #tpu.memory_space<vmem>>, vector<64x1xf32>
      %dot_general3A_119 = arith.constant dense<0.000000e+00> : vector<128x1xf32>
      %dot_general3A_120 = tpu.matmul %sub3A_115, %get3A_118, %dot_general3A_119 {dimension_numbers = #tpu.dot_dimension_numbers<[1], [0], [0], [1], [0, 0, 1, 1], [], []>, transpose_lhs_hint = false} : vector<128x64xf32>, vector<64x1xf32>, vector<128x1xf32> -> vector<128x1xf32>
      %get3A_121 = arith.constant 0 : index
      %get3A_122 = arith.constant 0 : index
      %get3A_123 = vector.load %arg19[%get3A_121, %get3A_122] : memref<1x1xf32, #tpu.memory_space<vmem>>, vector<1x1xf32>
      %add3A_124 = vector.broadcast %get3A_123 : vector<1x1xf32> to vector<128x1xf32>
      %add3A_125 = arith.addf %dot_general3A_120, %add3A_124 : vector<128x1xf32>
      %iota3A = tpu.iota {dimensions = array<i32: 1>} : vector<128x128xi32>
      %eq3A_126 = vector.broadcast %get3A_35 : vector<128x1xi32> to vector<128x128xi32>
      %eq3A_127 = arith.cmpi eq, %eq3A_126, %iota3A : vector<128x128xi32>
      %convert_element_type3A_128 = arith.extui %eq3A_127 : vector<128x128xi1> to vector<128x128xi32>
      %convert_element_type3A_129 = arith.sitofp %convert_element_type3A_128 : vector<128x128xi32> to vector<128x128xf32>
      %dot_general3A_130 = arith.constant dense<0.000000e+00> : vector<1x128xf32>
      %dot_general3A_131 = tpu.matmul %add3A_125, %convert_element_type3A_129, %dot_general3A_130 {dimension_numbers = #tpu.dot_dimension_numbers<[0], [0], [1], [1], [0, 1, 1, 1], [], []>, transpose_lhs_hint = false} : vector<128x1xf32>, vector<128x128xf32>, vector<1x128xf32> -> vector<1x128xf32>
      %get3A_132 = arith.constant 0 : index
      %get3A_133 = arith.constant 0 : index
      %get3A_134 = vector.load %arg20[%get3A_132, %get3A_133] : memref<1x128xf32, #tpu.memory_space<vmem>>, vector<1x128xf32>
      %add3A_135 = arith.addf %get3A_134, %dot_general3A_131 : vector<1x128xf32>
      %swap3A_136 = arith.constant 0 : index
      %swap3A_137 = arith.constant 0 : index
      %swap3A_138 = vector.load %arg20[%swap3A_136, %swap3A_137] : memref<1x128xf32, #tpu.memory_space<vmem>>, vector<1x128xf32>
      tpu.vector_store %arg20[%swap3A_136, %swap3A_137], %add3A_135 {strides = array<i32>} : memref<1x128xf32, #tpu.memory_space<vmem>>, vector<1x128xf32>,
    } else {
    }
    return
  }
  func.func @transform_0(%arg0: i32, %arg1: i32, %arg2: memref<2x1264xi32, #tpu.memory_space<smem>>) -> (i32, i32) {
    %c0_i32 = arith.constant 0 : i32
    %c0_i32_0 = arith.constant 0 : i32
    %c0_i32_1 = arith.constant 0 : i32
    return %c0_i32, %c0_i32_0 : i32, i32
  }
  func.func @transform_1(%arg0: i32, %arg1: i32, %arg2: memref<2x1264xi32, #tpu.memory_space<smem>>) -> (i32, i32) {
    %c0_i32 = arith.constant 0 : i32
    %c0_i32_0 = arith.constant 0 : i32
    %c0_i32_1 = arith.constant 0 : i32
    return %c0_i32, %c0_i32_0 : i32, i32
  }
  func.func @transform_2(%arg0: i32, %arg1: i32, %arg2: memref<2x1264xi32, #tpu.memory_space<smem>>) -> (i32, i32) {
    %c0_i32 = arith.constant 0 : i32
    %c0_i32_0 = arith.constant 0 : i32
    %c0_i32_1 = arith.constant 0 : i32
    return %c0_i32, %c0_i32_0 : i32, i32
  }
  func.func @transform_3(%arg0: i32, %arg1: i32, %arg2: memref<2x1264xi32, #tpu.memory_space<smem>>) -> (i32, i32) {
    %c0_i32 = arith.constant 0 : i32
    %c0_i32_0 = arith.constant 0 : i32
    %c0_i32_1 = arith.constant 0 : i32
    return %c0_i32, %c0_i32_0 : i32, i32
  }
  func.func @transform_4(%arg0: i32, %arg1: i32, %arg2: memref<2x1264xi32, #tpu.memory_space<smem>>) -> (i32, i32, i32) {
    %c0_i32 = arith.constant 0 : i32
    %c0_i32_0 = arith.constant 0 : i32
    %c0_i32_1 = arith.constant 0 : i32
    %c0_i32_2 = arith.constant 0 : i32
    return %c0_i32, %c0_i32_0, %c0_i32_1 : i32, i32, i32
  }
  func.func @transform_5(%arg0: i32, %arg1: i32, %arg2: memref<2x1264xi32, #tpu.memory_space<smem>>) -> (i32, i32, i32) {
    %c0_i32 = arith.constant 0 : i32
    %c0_i32_0 = arith.constant 0 : i32
    %c0_i32_1 = arith.constant 0 : i32
    %c0_i32_2 = arith.constant 0 : i32
    return %c0_i32, %c0_i32_0, %c0_i32_1 : i32, i32, i32
  }
  func.func @transform_6(%arg0: i32, %arg1: i32, %arg2: memref<2x1264xi32, #tpu.memory_space<smem>>) -> (i32, i32, i32) {
    %c0_i32 = arith.constant 0 : i32
    %c0_i32_0 = arith.constant 0 : i32
    %c0_i32_1 = arith.constant 0 : i32
    %c0_i32_2 = arith.constant 0 : i32
    return %c0_i32, %c0_i32_0, %c0_i32_1 : i32, i32, i32
  }
  func.func @transform_7(%arg0: i32, %arg1: i32, %arg2: memref<2x1264xi32, #tpu.memory_space<smem>>) -> (i32, i32, i32) {
    %c0_i32 = arith.constant 0 : i32
    %c0_i32_0 = arith.constant 0 : i32
    %c0_i32_1 = arith.constant 0 : i32
    %c0_i32_2 = arith.constant 0 : i32
    return %c0_i32, %c0_i32_0, %c0_i32_1 : i32, i32, i32
  }
  func.func @transform_8(%arg0: i32, %arg1: i32, %arg2: memref<2x1264xi32, #tpu.memory_space<smem>>) -> (i32, i32, i32) {
    %c0_i32 = arith.constant 0 : i32
    %c0_i32_0 = arith.constant 0 : i32
    %c0_i32_1 = arith.constant 0 : i32
    %c0_i32_2 = arith.constant 0 : i32
    return %c0_i32, %c0_i32_0, %c0_i32_1 : i32, i32, i32
  }
  func.func @transform_9(%arg0: i32, %arg1: i32, %arg2: memref<2x1264xi32, #tpu.memory_space<smem>>) -> (i32, i32, i32) {
    %c0_i32 = arith.constant 0 : i32
    %c0_i32_0 = arith.constant 0 : i32
    %c0_i32_1 = arith.constant 0 : i32
    %c0_i32_2 = arith.constant 0 : i32
    return %c0_i32, %c0_i32_0, %c0_i32_1 : i32, i32, i32
  }
  func.func @transform_10(%arg0: i32, %arg1: i32, %arg2: memref<2x1264xi32, #tpu.memory_space<smem>>) -> (i32, i32, i32) {
    %c0_i32 = arith.constant 0 : i32
    %c0_i32_0 = arith.constant 0 : i32
    %c0_i32_1 = arith.constant 0 : i32
    %c0_i32_2 = arith.constant 0 : i32
    return %c0_i32, %c0_i32_0, %c0_i32_1 : i32, i32, i32
  }
  func.func @transform_11(%arg0: i32, %arg1: i32, %arg2: memref<2x1264xi32, #tpu.memory_space<smem>>) -> (i32, i32, i32) {
    %c0_i32 = arith.constant 0 : i32
    %c0_i32_0 = arith.constant 0 : i32
    %c0_i32_1 = arith.constant 0 : i32
    %c0_i32_2 = arith.constant 0 : i32
    return %c0_i32, %c0_i32_0, %c0_i32_1 : i32, i32, i32
  }
  func.func @transform_12(%arg0: i32, %arg1: i32, %arg2: memref<2x1264xi32, #tpu.memory_space<smem>>) -> (i32, i32, i32) {
    %c0_i32 = arith.constant 0 : i32
    %c0_i32_0 = arith.constant 0 : i32
    %c0_i32_1 = arith.constant 0 : i32
    %c0_i32_2 = arith.constant 0 : i32
    return %c0_i32, %c0_i32_0, %c0_i32_1 : i32, i32, i32
  }
  func.func @transform_13(%arg0: i32, %arg1: i32, %arg2: memref<2x1264xi32, #tpu.memory_space<smem>>) -> (i32, i32) {
    %c0_i32 = arith.constant 0 : i32
    %c0_i32_0 = arith.constant 0 : i32
    %c0_i32_1 = arith.constant 0 : i32
    return %c0_i32, %c0_i32_0 : i32, i32
  }
  func.func @transform_14(%arg0: i32, %arg1: i32, %arg2: memref<2x1264xi32, #tpu.memory_space<smem>>) -> (i32, i32) {
    %c0_i32 = arith.constant 0 : i32
    %c0_i32_0 = arith.constant 0 : i32
    %c0_i32_1 = arith.constant 0 : i32
    return %c0_i32, %c0_i32_0 : i32, i32
  }
  func.func @transform_15(%arg0: i32, %arg1: i32, %arg2: memref<2x1264xi32, #tpu.memory_space<smem>>) -> (i32, i32) {
    %c0_i32 = arith.constant 0 : i32
    %c0_i32_0 = arith.constant 0 : i32
    %c0_i32_1 = arith.constant 0 : i32
    return %c0_i32, %c0_i32_0 : i32, i32
  }
  func.func @transform_16(%arg0: i32, %arg1: i32, %arg2: memref<2x1264xi32, #tpu.memory_space<smem>>) -> (i32, i32) {
    %c0_i32 = arith.constant 0 : i32
    %c0_i32_0 = arith.constant 0 : i32
    %c0_i32_1 = arith.constant 0 : i32
    return %c0_i32, %c0_i32_0 : i32, i32
  }
  func.func @transform_17(%arg0: i32, %arg1: i32, %arg2: memref<2x1264xi32, #tpu.memory_space<smem>>) -> (i32, i32) {
    %c0_i32 = arith.constant 0 : i32
    %c0_i32_0 = arith.constant 0 : i32
    %c0_i32_1 = arith.constant 0 : i32
    return %c0_i32, %c0_i32_0 : i32, i32
  }
}

</mosaic_0001>

<sc_bundles>
// kernel: gather_offload_async_start.1
scs
__scs_entry_jumppad:
0x0: {  	(pc) =	sbr.rel $0x88, $3  }
0x1: {  	(tag) =	ssettag $0x0;
	lr =	simm.s32 $0x1  }
0x2: {  	[smem:$0x3F90] =	sst lr;
	_ =	strace $0xD0000000  }
0x3: {  	_ = 	snop  }
0x4: {  	_ = 	snop  }
0x5: {  	_ = 	snop  }
0x6: {  	_ = 	snop  }
0x7: {  	_ = 	snop  }
__scs_overlays_trampoline_lowered:
0x8: {  	[smem:$0x3F9F] =	sst s0  }
0x9: {  	[smem:$0x3FA0] =	sst s1  }
0xa: {  	[smem:$0x3FA1] =	sst s2  }
0xb: {  	[smem:$0x3FA2] =	sst s3  }
0xc: {  	[smem:$0x3FA3] =	sst s4  }
0xd: {  	[smem:$0x3FA4] =	sst s5  }
0xe: {  	[smem:$0x3FA5] =	sst s6  }
0xf: {  	[smem:$0x3FA6] =	sst s7  }
0x10: {  	[smem:$0x3FA7] =	sst s8  }
0x11: {  	[smem:$0x3FA8] =	sst s9;
	s0 =	simm.s32 @!p0 $0x0  }
0x12: {  	s1 =	sld [smem:$0x3F8E];
	s0 =	simm.s32 @p0 $0x1  }
0x13: {  	[smem:$0x3FA9] =	sst s0;
	s0 =	simm.s32 @!p1 $0x0  }
0x14: {  	s2 =	sld [smem:$0x3F8D];
	s0 =	simm.s32 @p1 $0x1  }
0x15: {  	[smem:$0x3FAA] =	sst s0;
	s0 =	simm.s32 @!p2 $0x0  }
0x16: {  	s3 =	sld [smem:$0x3FDB];
	s0 =	simm.s32 @p2 $0x1  }
0x17: {  	s4 =	simm.s32 $0x1BF5;
	[smem:$0x3FAC] =	sst s0  }
0x18: {  	s0 =	sld [smem:$0x3F8F];
	_ =	swait.ge [sflag:s4], $0x0  }
0x19: {  	s7 =	sld [smem:$0x3F90]  }
0x1a: {  	s8 =	sadd.s32 $0xFFFFE003, lr  }
0x1b: {  	s9 =	sadd.s32 $0xFFFFFEF7, lr;
	s5 =	simm.s32 $0xFFFFFFFF;
	p2 =	slt.u32 s8, $0xFFFFF086  }
0x1c: {  	p1 =	slt.u32 s9, $0xF7A;
	s5 =	simm.s32 @!p2 $0x0  }
0x1d: {  	s5 =	simm.s32 @p1 $0x1;
	p0 =	seq.s32 s7, s2  }
0x1e: {  	s7 =	smul.u32 @!p0 $0xF7A, s2;
	p2 =	seq.s32 @!p0 s5, $0x0  }
0x1f: {  	s9 =	smul.u32 $0xF7A, s1;
	s8 =	simm.s32 @!p0 $0x1BF5;
	p2 =	por !p2, p0  }
0x20: {  	[sflag:s8] =	ssyncset.s32 @!p0 $0xFFFFF086;
	s6 =	sadd.s32 @!p0 s3, s7;
	s7 =	simm.s32 @!p0 $0x108  }
0x21: {  	s3 =	sadd.s32 s3, s9;
	s6 =	sadd.s32 @!p0 $0x88, s6;
	s7 =	simm.s32 @p2 $0x1082  }
0x22: {  	[simem:s7], [sflag:s8] =	dma.local @!p0 [hbm:s6], $0xF7A  }
0x23: {  	s9 =	sor.u32 $0xD0000000, s2;
	s6 =	simm.s32 $0x108;
	_ =	swait.ge @!p0 [sflag:s8], $0x0  }
0x24: {  	s3 =	sadd.s32 $0x88, s3;
	s6 =	simm.s32 @!p1 $0x1082;
	[sflag:s4] =	ssyncset.s32 $0xFFFFF086  }
0x25: {  	[simem:s6], [sflag:s4] =	dma.local [hbm:s3], $0xF7A  }
0x26: {  	[smem:$0x3F90] =	sst s1;
	(tag) =	ssettag s2;
	_ =	strace s9  }
0x27: {  	s1 =	sld [smem:$0x3FA0]  }
0x28: {  	s2 =	sld [smem:$0x3FA1]  }
0x29: {  	s4 =	sld [smem:$0x3FA3]  }
0x2a: {  	p0 =	seq.s32 s5, $0x0;
	s5 =	sld [smem:$0x3FA4]  }
0x2b: {  	s6 =	sld [smem:$0x3FA5]  }
0x2c: {  	s7 =	sld [smem:$0x3FA6]  }
0x2d: {  	s3 =	simm.s32 $0x108;
	s8 =	sld [smem:$0x3FA7]  }
0x2e: {  	s3 =	simm.s32 @!p0 $0x1082;
	s9 =	sld [smem:$0x3FA8]  }
0x2f: {  	lr =	sadd.s32 s0, s3;
	s0 =	sld [smem:$0x3F9F]  }
0x30: {  	s3 =	sld [smem:$0x3FA2]  }
0x31: {  	[smem:$0x3FAB] =	sst s10  }
0x32: {  	s10 =	sld [smem:$0x3FA9];
	_ =	sdelay $0x3  }
0x33: {  	p0 =	seq.s32 s10, $0x1;
	s10 =	sld [smem:$0x3FAB];
	_ =	sdelay $0x3  }
0x34: {  	[smem:$0x3FAB] =	sst s10  }
0x35: {  	s10 =	sld [smem:$0x3FAA];
	_ =	sdelay $0x3  }
0x36: {  	p1 =	seq.s32 s10, $0x1;
	s10 =	sld [smem:$0x3FAB];
	_ =	sdelay $0x3  }
0x37: {  	[smem:$0x3FAB] =	sst s10  }
0x38: {  	s10 =	sld [smem:$0x3FAC]  }
0x39: {  	_ = 	snop;
	(pc) =	sbr.ind lr, $3  }
0x3a: {  	_ = 	snop  }
0x3b: {  	_ = 	snop  }
0x3c: {  	p2 =	seq.s32 s10, $0x1;
	s10 =	sld [smem:$0x3FAB]  }
0x3d: {  	_ =	shalt  }
0x3e: {  	_ =	shalt  }
0x3f: {  	_ =	shalt  }
0x40: {  	_ =	shalt  }
0x41: {  	_ =	shalt  }
0x42: {  	_ =	shalt  }
0x43: {  	_ =	shalt  }
0x44: {  	_ =	shalt  }
0x45: {  	_ =	shalt  }
0x46: {  	_ =	shalt  }
0x47: {  	_ =	shalt  }
0x48: {  	_ =	shalt  }
0x49: {  	_ =	shalt  }
0x4a: {  	_ =	shalt  }
0x4b: {  	_ =	shalt  }
0x4c: {  	_ =	shalt  }
0x4d: {  	_ =	shalt  }
0x4e: {  	_ =	shalt  }
0x4f: {  	_ =	shalt  }
0x50: {  	_ =	shalt  }
0x51: {  	_ =	shalt  }
0x52: {  	_ =	shalt  }
0x53: {  	_ =	shalt  }
0x54: {  	_ =	shalt  }
0x55: {  	_ =	shalt  }
0x56: {  	_ =	shalt  }
0x57: {  	_ =	shalt  }
0x58: {  	_ =	shalt  }
0x59: {  	_ =	shalt  }
0x5a: {  	_ =	shalt  }
0x5b: {  	_ =	shalt  }
0x5c: {  	_ =	shalt  }
0x5d: {  	_ =	shalt  }
0x5e: {  	_ =	shalt  }
0x5f: {  	_ =	shalt  }
0x60: {  	_ =	shalt  }
0x61: {  	_ =	shalt  }
0x62: {  	_ =	shalt  }
0x63: {  	_ =	shalt  }
0x64: {  	_ =	shalt  }
0x65: {  	_ =	shalt  }
0x66: {  	_ =	shalt  }
0x67: {  	_ =	shalt  }
0x68: {  	_ =	shalt  }
0x69: {  	_ =	shalt  }
0x6a: {  	_ =	shalt  }
0x6b: {  	_ =	shalt  }
0x6c: {  	_ =	shalt  }
0x6d: {  	_ =	shalt  }
0x6e: {  	_ =	shalt  }
0x6f: {  	_ =	shalt  }
0x70: {  	_ =	shalt  }
0x71: {  	_ =	shalt  }
0x72: {  	_ =	shalt  }
0x73: {  	_ =	shalt  }
0x74: {  	_ =	shalt  }
0x75: {  	_ =	shalt  }
0x76: {  	_ =	shalt  }
0x77: {  	_ =	shalt  }
0x78: {  	_ =	shalt  }
0x79: {  	_ =	shalt  }
0x7a: {  	_ =	shalt  }
0x7b: {  	_ =	shalt  }
0x7c: {  	_ =	shalt  }
0x7d: {  	_ =	shalt  }
0x7e: {  	_ =	shalt  }
0x7f: {  	_ =	shalt  }
0x80: {  	_ =	shalt  }
0x81: {  	_ =	shalt  }
0x82: {  	_ =	shalt  }
0x83: {  	_ =	shalt  }
0x84: {  	_ =	shalt  }
0x85: {  	_ =	shalt  }
0x86: {  	_ =	shalt  }
0x87: {  	_ =	shalt  }
.Lfunc_end0:
.L_simem_size_0:
called_computation.1_lowered:
.L_overlay_start_0:
0x88: {  	s0 =	sld [smem:$0x3FD9]  }
0x89: {  	s1 =	sld [smem:$0x3FFE];
	_ =	sdelay $0x3  }
0x8a: {  	s0 =	sadd.s32 s1, s0  }
0x8b: {  	[smem:$0x3FB7] =	sst s0  }
0x8c: {  	_ = 	snop  }
0x8d: {  	s0 =	sld [smem:$0x3FC7];
	(tm) =	ssettm $0x1  }
0x8e: {  	s16 =	sld [smem:$0x3FFB];
	_ =	sdelay $0x3  }
0x8f: {  	_ =	strace s16  }
0x90: {  	s1 =	sld [smem:$0x3FFC];
	_ =	sdelay $0x3  }
0x91: {  	_ =	strace s1  }
0x92: {  	s1 =	sld [smem:$0x3FFD];
	_ =	sdelay $0x3  }
0x93: {  	_ =	strace s1  }
0x94: {  	_ =	strace $0x8FFFFFFF  }
0x95: {  	s17 =	sld [smem:$0x3FDB];
	_ =	sdelay $0x1  }
0x96: {  	s2 =	simm.s32 $_scs_section_size  }
0x97: {  	s3 =	simm.s32 $_size__tile_overlayer_lowered;
	s4 =	simm.s32 $_tile_overlayer_lowered  }
0x98: {  	s20 =	simm.s32 $0x1BFF;
	s19 =	sshll.u32 s4, $0x1;
	s1 =	sadd.s32 s2, s17  }
0x99: {  	s5 =	simm.s32 $0x0;
	s18 =	sshll.u32 s3, $0x1;
	s3 =	sadd.s32 s19, s1  }
0x9a: {  	[timem:s5], [sflag:s20] =	dma.local [hbm:s3], s18  }
0x9b: {  	_ =	swait.ge [sflag:s20], s18  }
0x9c: {  	s2 =	ssub.s32 $0x0, s18;
	[sflag:s20] =	ssyncset.done $0x0  }
0x9d: {  	[sflag:s20] =	ssyncadd.s32 s2;
	_ =	sdelay $0x1  }
0x9e: {  	s21 =	simm.s32 $0x1B8B  }
0x9f: {  	_ =	swait.ge [sflag:s21], $0x1  }
0xa0: {  	[sflag:s21] =	ssyncset.done $0x0  }
0xa1: {  	s23 =	simm.s32 $0x1B8E;
	s22 =	sld [smem:$0x3FFE];
	[sflag:s21] =	ssyncadd.s32 $0xFFFFFFFF  }
0xa2: {  	s24 =	simm.s32 $execute0_lowered;
	[smem:$0x3FD2] =	sst s23  }
0xa3: {  	s3 =	sshll.u32 s24, $0x1;
	_ =	strace $0x80000049;
	[dreg:$0x1] =	wrdreg $0xFFFFFFFF  }
0xa4: {  	s25 =	simm.s32 $_size_execute0_lowered;
	s1 =	sadd.s32 s1, s3;
	[dreg:$0x0] =	wrdreg $0x0  }
0xa5: {  	s3 =	sshll.u32 s25, $0x1;
	[dreg:$0x2] =	wrdreg s1  }
0xa6: {  	[dreg:$0x3] =	wrdreg s3  }
0xa7: {  	[dreg:$0x4] =	wrdreg $0xC0  }
0xa8: {  	_ =	task [dreg:s5], $0x5FFFF  }
0xa9: {  	[dreg:$0x1] =	wrdreg $0xFFFFFFFF  }
0xaa: {  	[dreg:$0x0] =	wrdreg $0x60  }
0xab: {  	[dreg:$0x2] =	wrdreg s0  }
0xac: {  	[dreg:$0x3] =	wrdreg s22  }
0xad: {  	[dreg:$0x4] =	wrdreg $0x9  }
0xae: {  	_ =	task.clear_ibuf [dreg:s5], $0x5FFFF;
	_ =	strace $0x90000049  }
0xaf: {  	s26 =	simm.s32 $0x9;
	_ =	strace $0x8000004B  }
0xb0: {  	_ =	swait.ge [sflag:s26], $0x1  }
0xb1: {  	[sflag:s26] =	ssyncadd.s32 $0xFFFFFFFF  }
0xb2: {  	_ =	strace $0x9000004B  }
0xb3: {  	_ =	sfence  }
0xb4: {  	s28 =	sld [smem:$0x0];
	_ =	sdelay $0x1  }
0xb5: {  	s29 =	srdreg.scid  }
0xb6: {  	s30 =	sshll.u32 s29, $0xD;
	s31 =	sshrl.u32 s29, $0x2  }
0xb7: {  	s2 =	sand.u32 $0x4000, s30;
	s1 =	sand.u32 $0x1, s29;
	s0 =	sadd.s32 s31, s28  }
0xb8: {  	s1 =	sor.u32 s2, s1;
	s0 =	sshll.u32 s0, $0x11  }
0xb9: {  	s0 =	sor.u32 s0, s1  }
0xba: {  	s0 =	sadd.s32 $0x8F2B, s0  }
0xbb: {  	[sflag:s0] =	ssyncadd.remote.s32 $0x1  }
0xbc: {  	_ =	sfence.sel $0xFFFF  }
0xbd: {  	[dreg:$0x0] =	wrdreg $0xFFFFFFFF;
	(pc) =	sbr.abs _section_cstart, $3  }
0xbe: {  	[dreg:$0x1] =	wrdreg $0xFFFFFFFF  }
0xbf: {  	_ =	task.clear_ibuf [dreg:s5], $0x2FFFF;
	_ =	strace $0x9FFFFFFF  }
0xc0: {  	(tm) =	ssettm $0x7FFFFFFF  }
0xc1: {  	_ =	shalt  }
tec
execute0_lowered:
.L_overlay_start_1:
0x0: {  	(tag) =	ssettag $0x1  }
0x1: {  	s2 =	rddreg [dreg:$0x0]  }
0x2: {  	s1 =	rddreg [dreg:$0x1]  }
0x3: {  	s0 =	rddreg [dreg:$0x2];
	_ =	strace $0x8000004A  }
0x4: {  	s5 =	simm.s32 $0x1;
	s6 =	simm.s32 $0x2;
	s7 =	simm.s32 $0x3  }
0x5: {  	s11 =	simm.s32 $0x0;
	s8 =	simm.s32 $0x0;
	s9 =	simm.s32 $0x0  }
0x6: {  	s3 =	sadd.s32 $0x2600, s1;
	s4 =	sadd.s32 $0x2800, s1;
	s1 =	stileid.u32  }
0x7: {  	[sflag:s5] =	ssyncpa.u1 $0x0;
	s5 =	simm.s32 $0x4;
	p0 =	seq.s32 s1, $0xF  }
0x8: {  	[sflag:s6] =	ssyncpa.u1 $0x0;
	s6 =	sshll.u32 s1, $0x4;
	s5 =	simm.s32 @!p0 $0x5  }
0x9: {  	[sflag:s7] =	ssyncpa.u1 $0x0;
	s10 =	smov.u32 s6;
	s7 =	sadd.s32 $0x1, s5  }
.LBB2_1:
0xa: {  	p0 =	sge.u32 s9, s5  }
0xb: {  	s31 =	sadd.s32 $0xFFFFFFFF, s9;
	s12 =	sxor.u32 @!p0 $0xFFFFFFFF, s8;
	s13 =	sshrl.u32 @!p0 s10, $0x3  }
0xc: {  	s14 =	sand.u32 @!p0 $0x7, s10;
	s12 =	sand.u32 @!p0 $0x10, s12;
	s13 =	sadd.s32 @!p0 s3, s13  }
0xd: {  	[tilespmem:s12], [sflag:$0x2] =	stream.linear.gather @!p0 [hbm4b:s13+s14], $0x10, $0x38;
	[tilespmem:$0x40] =	vst v63  }
0xe: {  	p0 =	sge.u32 s31, s5  }
0xf: {  	s12 =	simm.s32 @!p0 $0x2  }
0x10: {  	_ =	swait.ge @!p0 [sflag:s12], $0x10  }
0x11: {  	[sflag:s12] =	ssyncset.done @!p0 $0x0  }
0x12: {  	[sflag:s12] =	ssyncadd.s32 @!p0 $0xFFFFFFF0;
	s12 =	sand.u32 @!p0 $0x10, s8  }
0x13: {  	(ifvalue) =	ssetifvalue @!p0 $0x7FFFFFFF;
	v0 =	vld.msk @!p0 [tilespmem:s12+$0x0 ss:$0x1], $0xffff;
	_ =	sdelay $0x4  }
0x14: {  	vm0 =	vgt.s32 @!p0 v0, $0x0  }
0x15: {  	v0 =	vnsel @!p0 vm0, $0x0, v0  }
0x16: {  	v0 =	vmin.u32 @!p0 v0, $0x270F;
	_ =	sdelay $0x3  }
0x17: {  	s13 =	simm.s32 @!p0 $0x0;
	s12 =	sor.u32 @!p0 $0x20, s12;
	(ifvalue) =	ssetifvalue @!p0 $0x7FFFFFFF;
	vm0 =	vmmov @!p0 $0xffff  }
0x18: {  	[tilespmem:s12], [sflag:$0x1] =	stream.indirect_vreg.gather @!p0 [hbm4b:s2+s13], $0x1, v0, vm0, $0x4038;
	[tilespmem:$0x40] =	vst v63  }
0x19: {  	s13 =	simm.s32 @!p0 $0x1  }
0x1a: {  	_ =	swait.ge @!p0 [sflag:s13], $0x10  }
0x1b: {  	s14 =	sshrl.u32 @!p0 s11, $0x3;
	[sflag:s13] =	ssyncset.done @!p0 $0x0  }
0x1c: {  	s11 =	sand.u32 @!p0 $0x7, s11;
	[sflag:s13] =	ssyncadd.s32 @!p0 $0xFFFFFFF0;
	s13 =	sadd.s32 @!p0 s4, s14  }
0x1d: {  	[hbm4b:s13+s11] =	stream.linear.scatter @!p0 [tilespmem:s12], [sflag:$0x3], $0x10, $0x38;
	[tilespmem:$0x40] =	vst v63  }
0x1e: {  	s13 =	sadd.s32 $0x100, s10  }
0x1f: {  	p1 =	sgt.s32 s13, $0x4EF  }
0x20: {  	s13 =	smov.u32 @p1 s6;
	p1 =	sne.s32 s9, s7  }
.Ltmp0:
0x21: {  	p0 =	slt.u32 s9, $0x2;
	(pc) =	sbr.rel @p1 .LBB2_1-.Ltmp0, $4  }
0x22: {  	s12 =	simm.s32 @!p0 $0x3  }
0x23: {  	_ =	swait.ge @!p0 [sflag:s12], $0x10  }
0x24: {  	s8 =	sadd.s32 $0x10, s8;
	s11 =	smov.u32 s10;
	[sflag:s12] =	ssyncset.done @!p0 $0x0  }
0x25: {  	s9 =	sadd.s32 $0x1, s9;
	s10 =	smov.u32 s13;
	[sflag:s12] =	ssyncadd.s32 @!p0 $0xFFFFFFF0  }
0x26: {  	_ =	sfence.sel $0x180000  }
0x27: {  	s2 =	simm.s32 $0x2;
	[bflag:$0x0] =	sbarrier.arrive $0xFFFF  }
0x28: {  	s30 =	simm.s32 $0x3;
	[sflag:s2] =	ssyncpa.u1 $0x1  }
0x29: {  	s31 =	simm.s32 $0x1;
	[sflag:s30] =	ssyncpa.u1 $0x1  }
0x2a: {  	[sflag:s31] =	ssyncpa.u1 $0x1  }
0x2b: {  	p0 =	sne.s32 s1, $0x0;
	_ =	strace $0x9000004A  }
0x2c: {  	s0 =	sadd.s32 @!p0 $0x100000, s0;
	[bflag:$0x2] =	sbarrier.arrive $0xFFFF  }
0x2d: {  	[sflag:s0] =	ssyncadd.tile.s32 @!p0 $0x1;
	_ =	shalt  }
.Lfunc_end2:
_tile_overlayer_lowered:
.L_overlay_start_2:
0x2e: {  	(tag) =	ssettag $0x2  }
0x2f: {  	s0 =	rddreg [dreg:$0x0];
	s2 =	stileid.u32  }
0x30: {  	s1 =	rddreg [dreg:$0x1];
	p0 =	sne.s32 s2, $0x0  }
0x31: {  	s3 =	rddreg [dreg:$0x2];
	[bflag:$0x3] =	sbarrier.arrive $0xFFFF;
	s2 =	simm.s32 @!p0 $0x1C01  }
0x32: {  	[timem:s3], [sflag:s2] =	dma.local @!p0 [hbm:s0], s1  }
0x33: {  	s0 =	simm.s32 @!p0 $0x1  }
0x34: {  	_ =	swait.ge @!p0 [sflag:s0], s1  }
0x35: {  	s1 =	ssub.s32 @!p0 $0x0, s1;
	[sflag:s0] =	ssyncset.done @!p0 $0x0  }
0x36: {  	[sflag:s0] =	ssyncadd.s32 @!p0 s1  }
0x37: {  	[bflag:$0x3] =	sbarrier.arrive $0xFFFF  }
0x38: {  	_ =	shalt  }

// kernel: gather_offload_async_start
scs
__scs_entry_jumppad:
0x0: {  	(pc) =	sbr.rel $0x88, $3  }
0x1: {  	(tag) =	ssettag $0x0;
	lr =	simm.s32 $0x1  }
0x2: {  	[smem:$0x3F90] =	sst lr;
	_ =	strace $0xD0000000  }
0x3: {  	_ = 	snop  }
0x4: {  	_ = 	snop  }
0x5: {  	_ = 	snop  }
0x6: {  	_ = 	snop  }
0x7: {  	_ = 	snop  }
__scs_overlays_trampoline_lowered:
0x8: {  	[smem:$0x3F9F] =	sst s0  }
0x9: {  	[smem:$0x3FA0] =	sst s1  }
0xa: {  	[smem:$0x3FA1] =	sst s2  }
0xb: {  	[smem:$0x3FA2] =	sst s3  }
0xc: {  	[smem:$0x3FA3] =	sst s4  }
0xd: {  	[smem:$0x3FA4] =	sst s5  }
0xe: {  	[smem:$0x3FA5] =	sst s6  }
0xf: {  	[smem:$0x3FA6] =	sst s7  }
0x10: {  	[smem:$0x3FA7] =	sst s8  }
0x11: {  	[smem:$0x3FA8] =	sst s9;
	s0 =	simm.s32 @!p0 $0x0  }
0x12: {  	s1 =	sld [smem:$0x3F8E];
	s0 =	simm.s32 @p0 $0x1  }
0x13: {  	[smem:$0x3FA9] =	sst s0;
	s0 =	simm.s32 @!p1 $0x0  }
0x14: {  	s2 =	sld [smem:$0x3F8D];
	s0 =	simm.s32 @p1 $0x1  }
0x15: {  	[smem:$0x3FAA] =	sst s0;
	s0 =	simm.s32 @!p2 $0x0  }
0x16: {  	s3 =	sld [smem:$0x3FDB];
	s0 =	simm.s32 @p2 $0x1  }
0x17: {  	s4 =	simm.s32 $0x1BF5;
	[smem:$0x3FAC] =	sst s0  }
0x18: {  	s0 =	sld [smem:$0x3F8F];
	_ =	swait.ge [sflag:s4], $0x0  }
0x19: {  	s7 =	sld [smem:$0x3F90]  }
0x1a: {  	s8 =	sadd.s32 $0xFFFFE003, lr  }
0x1b: {  	s9 =	sadd.s32 $0xFFFFFEF7, lr;
	s5 =	simm.s32 $0xFFFFFFFF;
	p2 =	slt.u32 s8, $0xFFFFF086  }
0x1c: {  	p1 =	slt.u32 s9, $0xF7A;
	s5 =	simm.s32 @!p2 $0x0  }
0x1d: {  	s5 =	simm.s32 @p1 $0x1;
	p0 =	seq.s32 s7, s2  }
0x1e: {  	s7 =	smul.u32 @!p0 $0xF7A, s2;
	p2 =	seq.s32 @!p0 s5, $0x0  }
0x1f: {  	s9 =	smul.u32 $0xF7A, s1;
	s8 =	simm.s32 @!p0 $0x1BF5;
	p2 =	por !p2, p0  }
0x20: {  	[sflag:s8] =	ssyncset.s32 @!p0 $0xFFFFF086;
	s6 =	sadd.s32 @!p0 s3, s7;
	s7 =	simm.s32 @!p0 $0x108  }
0x21: {  	s3 =	sadd.s32 s3, s9;
	s6 =	sadd.s32 @!p0 $0x88, s6;
	s7 =	simm.s32 @p2 $0x1082  }
0x22: {  	[simem:s7], [sflag:s8] =	dma.local @!p0 [hbm:s6], $0xF7A  }
0x23: {  	s9 =	sor.u32 $0xD0000000, s2;
	s6 =	simm.s32 $0x108;
	_ =	swait.ge @!p0 [sflag:s8], $0x0  }
0x24: {  	s3 =	sadd.s32 $0x88, s3;
	s6 =	simm.s32 @!p1 $0x1082;
	[sflag:s4] =	ssyncset.s32 $0xFFFFF086  }
0x25: {  	[simem:s6], [sflag:s4] =	dma.local [hbm:s3], $0xF7A  }
0x26: {  	[smem:$0x3F90] =	sst s1;
	(tag) =	ssettag s2;
	_ =	strace s9  }
0x27: {  	s1 =	sld [smem:$0x3FA0]  }
0x28: {  	s2 =	sld [smem:$0x3FA1]  }
0x29: {  	s4 =	sld [smem:$0x3FA3]  }
0x2a: {  	p0 =	seq.s32 s5, $0x0;
	s5 =	sld [smem:$0x3FA4]  }
0x2b: {  	s6 =	sld [smem:$0x3FA5]  }
0x2c: {  	s7 =	sld [smem:$0x3FA6]  }
0x2d: {  	s3 =	simm.s32 $0x108;
	s8 =	sld [smem:$0x3FA7]  }
0x2e: {  	s3 =	simm.s32 @!p0 $0x1082;
	s9 =	sld [smem:$0x3FA8]  }
0x2f: {  	lr =	sadd.s32 s0, s3;
	s0 =	sld [smem:$0x3F9F]  }
0x30: {  	s3 =	sld [smem:$0x3FA2]  }
0x31: {  	[smem:$0x3FAB] =	sst s10  }
0x32: {  	s10 =	sld [smem:$0x3FA9];
	_ =	sdelay $0x3  }
0x33: {  	p0 =	seq.s32 s10, $0x1;
	s10 =	sld [smem:$0x3FAB];
	_ =	sdelay $0x3  }
0x34: {  	[smem:$0x3FAB] =	sst s10  }
0x35: {  	s10 =	sld [smem:$0x3FAA];
	_ =	sdelay $0x3  }
0x36: {  	p1 =	seq.s32 s10, $0x1;
	s10 =	sld [smem:$0x3FAB];
	_ =	sdelay $0x3  }
0x37: {  	[smem:$0x3FAB] =	sst s10  }
0x38: {  	s10 =	sld [smem:$0x3FAC]  }
0x39: {  	_ = 	snop;
	(pc) =	sbr.ind lr, $3  }
0x3a: {  	_ = 	snop  }
0x3b: {  	_ = 	snop  }
0x3c: {  	p2 =	seq.s32 s10, $0x1;
	s10 =	sld [smem:$0x3FAB]  }
0x3d: {  	_ =	shalt  }
0x3e: {  	_ =	shalt  }
0x3f: {  	_ =	shalt  }
0x40: {  	_ =	shalt  }
0x41: {  	_ =	shalt  }
0x42: {  	_ =	shalt  }
0x43: {  	_ =	shalt  }
0x44: {  	_ =	shalt  }
0x45: {  	_ =	shalt  }
0x46: {  	_ =	shalt  }
0x47: {  	_ =	shalt  }
0x48: {  	_ =	shalt  }
0x49: {  	_ =	shalt  }
0x4a: {  	_ =	shalt  }
0x4b: {  	_ =	shalt  }
0x4c: {  	_ =	shalt  }
0x4d: {  	_ =	shalt  }
0x4e: {  	_ =	shalt  }
0x4f: {  	_ =	shalt  }
0x50: {  	_ =	shalt  }
0x51: {  	_ =	shalt  }
0x52: {  	_ =	shalt  }
0x53: {  	_ =	shalt  }
0x54: {  	_ =	shalt  }
0x55: {  	_ =	shalt  }
0x56: {  	_ =	shalt  }
0x57: {  	_ =	shalt  }
0x58: {  	_ =	shalt  }
0x59: {  	_ =	shalt  }
0x5a: {  	_ =	shalt  }
0x5b: {  	_ =	shalt  }
0x5c: {  	_ =	shalt  }
0x5d: {  	_ =	shalt  }
0x5e: {  	_ =	shalt  }
0x5f: {  	_ =	shalt  }
0x60: {  	_ =	shalt  }
0x61: {  	_ =	shalt  }
0x62: {  	_ =	shalt  }
0x63: {  	_ =	shalt  }
0x64: {  	_ =	shalt  }
0x65: {  	_ =	shalt  }
0x66: {  	_ =	shalt  }
0x67: {  	_ =	shalt  }
0x68: {  	_ =	shalt  }
0x69: {  	_ =	shalt  }
0x6a: {  	_ =	shalt  }
0x6b: {  	_ =	shalt  }
0x6c: {  	_ =	shalt  }
0x6d: {  	_ =	shalt  }
0x6e: {  	_ =	shalt  }
0x6f: {  	_ =	shalt  }
0x70: {  	_ =	shalt  }
0x71: {  	_ =	shalt  }
0x72: {  	_ =	shalt  }
0x73: {  	_ =	shalt  }
0x74: {  	_ =	shalt  }
0x75: {  	_ =	shalt  }
0x76: {  	_ =	shalt  }
0x77: {  	_ =	shalt  }
0x78: {  	_ =	shalt  }
0x79: {  	_ =	shalt  }
0x7a: {  	_ =	shalt  }
0x7b: {  	_ =	shalt  }
0x7c: {  	_ =	shalt  }
0x7d: {  	_ =	shalt  }
0x7e: {  	_ =	shalt  }
0x7f: {  	_ =	shalt  }
0x80: {  	_ =	shalt  }
0x81: {  	_ =	shalt  }
0x82: {  	_ =	shalt  }
0x83: {  	_ =	shalt  }
0x84: {  	_ =	shalt  }
0x85: {  	_ =	shalt  }
0x86: {  	_ =	shalt  }
0x87: {  	_ =	shalt  }
.Lfunc_end0:
.L_simem_size_0:
called_computation_lowered:
.L_overlay_start_0:
0x88: {  	s0 =	sld [smem:$0x3FD9]  }
0x89: {  	s1 =	sld [smem:$0x3FFE];
	_ =	sdelay $0x3  }
0x8a: {  	s0 =	sadd.s32 s1, s0  }
0x8b: {  	[smem:$0x3FB7] =	sst s0  }
0x8c: {  	_ = 	snop  }
0x8d: {  	s0 =	sld [smem:$0x3FC7];
	(tm) =	ssettm $0x1  }
0x8e: {  	s16 =	sld [smem:$0x3FFB];
	_ =	sdelay $0x3  }
0x8f: {  	_ =	strace s16  }
0x90: {  	s1 =	sld [smem:$0x3FFC];
	_ =	sdelay $0x3  }
0x91: {  	_ =	strace s1  }
0x92: {  	s1 =	sld [smem:$0x3FFD];
	_ =	sdelay $0x3  }
0x93: {  	_ =	strace s1  }
0x94: {  	_ =	strace $0x8FFFFFFF  }
0x95: {  	s17 =	sld [smem:$0x3FDB];
	_ =	sdelay $0x1  }
0x96: {  	s2 =	simm.s32 $_scs_section_size  }
0x97: {  	s3 =	simm.s32 $_size__tile_overlayer_lowered;
	s4 =	simm.s32 $_tile_overlayer_lowered  }
0x98: {  	s20 =	simm.s32 $0x1BFF;
	s19 =	sshll.u32 s4, $0x1;
	s1 =	sadd.s32 s2, s17  }
0x99: {  	s5 =	simm.s32 $0x0;
	s18 =	sshll.u32 s3, $0x1;
	s3 =	sadd.s32 s19, s1  }
0x9a: {  	[timem:s5], [sflag:s20] =	dma.local [hbm:s3], s18  }
0x9b: {  	_ =	swait.ge [sflag:s20], s18  }
0x9c: {  	s2 =	ssub.s32 $0x0, s18;
	[sflag:s20] =	ssyncset.done $0x0  }
0x9d: {  	[sflag:s20] =	ssyncadd.s32 s2;
	_ =	sdelay $0x1  }
0x9e: {  	s21 =	simm.s32 $0x1B8B  }
0x9f: {  	_ =	swait.ge [sflag:s21], $0x1  }
0xa0: {  	[sflag:s21] =	ssyncset.done $0x0  }
0xa1: {  	s23 =	simm.s32 $0x1B8E;
	s22 =	sld [smem:$0x3FFE];
	[sflag:s21] =	ssyncadd.s32 $0xFFFFFFFF  }
0xa2: {  	s24 =	simm.s32 $execute0_lowered;
	[smem:$0x3FD2] =	sst s23  }
0xa3: {  	s3 =	sshll.u32 s24, $0x1;
	_ =	strace $0x80000046;
	[dreg:$0x1] =	wrdreg $0xFFFFFFFF  }
0xa4: {  	s25 =	simm.s32 $_size_execute0_lowered;
	s1 =	sadd.s32 s1, s3;
	[dreg:$0x0] =	wrdreg $0x0  }
0xa5: {  	s3 =	sshll.u32 s25, $0x1;
	[dreg:$0x2] =	wrdreg s1  }
0xa6: {  	[dreg:$0x3] =	wrdreg s3  }
0xa7: {  	[dreg:$0x4] =	wrdreg $0xC0  }
0xa8: {  	_ =	task [dreg:s5], $0x5FFFF  }
0xa9: {  	[dreg:$0x1] =	wrdreg $0xFFFFFFFF  }
0xaa: {  	[dreg:$0x0] =	wrdreg $0x60  }
0xab: {  	[dreg:$0x2] =	wrdreg s0  }
0xac: {  	[dreg:$0x3] =	wrdreg s22  }
0xad: {  	[dreg:$0x4] =	wrdreg $0x9  }
0xae: {  	_ =	task.clear_ibuf [dreg:s5], $0x5FFFF;
	_ =	strace $0x90000046  }
0xaf: {  	s26 =	simm.s32 $0x9;
	_ =	strace $0x80000048  }
0xb0: {  	_ =	swait.ge [sflag:s26], $0x1  }
0xb1: {  	[sflag:s26] =	ssyncadd.s32 $0xFFFFFFFF  }
0xb2: {  	_ =	strace $0x90000048  }
0xb3: {  	_ =	sfence  }
0xb4: {  	s28 =	sld [smem:$0x0];
	_ =	sdelay $0x1  }
0xb5: {  	s29 =	srdreg.scid  }
0xb6: {  	s30 =	sshll.u32 s29, $0xD;
	s31 =	sshrl.u32 s29, $0x2  }
0xb7: {  	s2 =	sand.u32 $0x4000, s30;
	s1 =	sand.u32 $0x1, s29;
	s0 =	sadd.s32 s31, s28  }
0xb8: {  	s1 =	sor.u32 s2, s1;
	s0 =	sshll.u32 s0, $0x11  }
0xb9: {  	s0 =	sor.u32 s0, s1  }
0xba: {  	s0 =	sadd.s32 $0x8F2B, s0  }
0xbb: {  	[sflag:s0] =	ssyncadd.remote.s32 $0x1  }
0xbc: {  	_ =	sfence.sel $0xFFFF  }
0xbd: {  	[dreg:$0x0] =	wrdreg $0xFFFFFFFF;
	(pc) =	sbr.abs _section_cstart, $3  }
0xbe: {  	[dreg:$0x1] =	wrdreg $0xFFFFFFFF  }
0xbf: {  	_ =	task.clear_ibuf [dreg:s5], $0x2FFFF;
	_ =	strace $0x9FFFFFFF  }
0xc0: {  	(tm) =	ssettm $0x7FFFFFFF  }
0xc1: {  	_ =	shalt  }
tec
execute0_lowered:
.L_overlay_start_1:
0x0: {  	(tag) =	ssettag $0x1  }
0x1: {  	s2 =	rddreg [dreg:$0x0]  }
0x2: {  	s1 =	rddreg [dreg:$0x1]  }
0x3: {  	s0 =	rddreg [dreg:$0x2];
	_ =	strace $0x80000047  }
0x4: {  	s5 =	simm.s32 $0x1;
	s6 =	simm.s32 $0x2;
	s7 =	simm.s32 $0x3  }
0x5: {  	s11 =	simm.s32 $0x0;
	s8 =	simm.s32 $0x0;
	s9 =	simm.s32 $0x0  }
0x6: {  	s3 =	sadd.s32 $0x2600, s1;
	s4 =	sadd.s32 $0x2800, s1;
	s1 =	stileid.u32  }
0x7: {  	[sflag:s5] =	ssyncpa.u1 $0x0;
	s5 =	simm.s32 $0x4;
	p0 =	seq.s32 s1, $0xF  }
0x8: {  	[sflag:s6] =	ssyncpa.u1 $0x0;
	s6 =	sshll.u32 s1, $0x4;
	s5 =	simm.s32 @!p0 $0x5  }
0x9: {  	[sflag:s7] =	ssyncpa.u1 $0x0;
	s10 =	smov.u32 s6;
	s7 =	sadd.s32 $0x1, s5  }
.LBB2_1:
0xa: {  	p0 =	sge.u32 s9, s5  }
0xb: {  	s31 =	sadd.s32 $0xFFFFFFFF, s9;
	s12 =	sxor.u32 @!p0 $0xFFFFFFFF, s8;
	s13 =	sshrl.u32 @!p0 s10, $0x3  }
0xc: {  	s14 =	sand.u32 @!p0 $0x7, s10;
	s12 =	sand.u32 @!p0 $0x10, s12;
	s13 =	sadd.s32 @!p0 s3, s13  }
0xd: {  	[tilespmem:s12], [sflag:$0x2] =	stream.linear.gather @!p0 [hbm4b:s13+s14], $0x10, $0x38;
	[tilespmem:$0x40] =	vst v63  }
0xe: {  	p0 =	sge.u32 s31, s5  }
0xf: {  	s12 =	simm.s32 @!p0 $0x2  }
0x10: {  	_ =	swait.ge @!p0 [sflag:s12], $0x10  }
0x11: {  	[sflag:s12] =	ssyncset.done @!p0 $0x0  }
0x12: {  	[sflag:s12] =	ssyncadd.s32 @!p0 $0xFFFFFFF0;
	s12 =	sand.u32 @!p0 $0x10, s8  }
0x13: {  	(ifvalue) =	ssetifvalue @!p0 $0x7FFFFFFF;
	v0 =	vld.msk @!p0 [tilespmem:s12+$0x0 ss:$0x1], $0xffff;
	_ =	sdelay $0x4  }
0x14: {  	vm0 =	vgt.s32 @!p0 v0, $0x0  }
0x15: {  	v0 =	vnsel @!p0 vm0, $0x0, v0  }
0x16: {  	v0 =	vmin.u32 @!p0 v0, $0x270F;
	_ =	sdelay $0x3  }
0x17: {  	s13 =	simm.s32 @!p0 $0x0;
	s12 =	sor.u32 @!p0 $0x20, s12;
	(ifvalue) =	ssetifvalue @!p0 $0x7FFFFFFF;
	vm0 =	vmmov @!p0 $0xffff  }
0x18: {  	[tilespmem:s12], [sflag:$0x1] =	stream.indirect_vreg.gather @!p0 [hbm4b:s2+s13], $0x1, v0, vm0, $0x4038;
	[tilespmem:$0x40] =	vst v63  }
0x19: {  	s13 =	simm.s32 @!p0 $0x1  }
0x1a: {  	_ =	swait.ge @!p0 [sflag:s13], $0x10  }
0x1b: {  	s14 =	sshrl.u32 @!p0 s11, $0x3;
	[sflag:s13] =	ssyncset.done @!p0 $0x0  }
0x1c: {  	s11 =	sand.u32 @!p0 $0x7, s11;
	[sflag:s13] =	ssyncadd.s32 @!p0 $0xFFFFFFF0;
	s13 =	sadd.s32 @!p0 s4, s14  }
0x1d: {  	[hbm4b:s13+s11] =	stream.linear.scatter @!p0 [tilespmem:s12], [sflag:$0x3], $0x10, $0x38;
	[tilespmem:$0x40] =	vst v63  }
0x1e: {  	s13 =	sadd.s32 $0x100, s10  }
0x1f: {  	p1 =	sgt.s32 s13, $0x4EF  }
0x20: {  	s13 =	smov.u32 @p1 s6;
	p1 =	sne.s32 s9, s7  }
.Ltmp0:
0x21: {  	p0 =	slt.u32 s9, $0x2;
	(pc) =	sbr.rel @p1 .LBB2_1-.Ltmp0, $4  }
0x22: {  	s12 =	simm.s32 @!p0 $0x3  }
0x23: {  	_ =	swait.ge @!p0 [sflag:s12], $0x10  }
0x24: {  	s8 =	sadd.s32 $0x10, s8;
	s11 =	smov.u32 s10;
	[sflag:s12] =	ssyncset.done @!p0 $0x0  }
0x25: {  	s9 =	sadd.s32 $0x1, s9;
	s10 =	smov.u32 s13;
	[sflag:s12] =	ssyncadd.s32 @!p0 $0xFFFFFFF0  }
0x26: {  	_ =	sfence.sel $0x180000  }
0x27: {  	s2 =	simm.s32 $0x2;
	[bflag:$0x0] =	sbarrier.arrive $0xFFFF  }
0x28: {  	s30 =	simm.s32 $0x3;
	[sflag:s2] =	ssyncpa.u1 $0x1  }
0x29: {  	s31 =	simm.s32 $0x1;
	[sflag:s30] =	ssyncpa.u1 $0x1  }
0x2a: {  	[sflag:s31] =	ssyncpa.u1 $0x1  }
0x2b: {  	p0 =	sne.s32 s1, $0x0;
	_ =	strace $0x90000047  }
0x2c: {  	s0 =	sadd.s32 @!p0 $0x100000, s0;
	[bflag:$0x2] =	sbarrier.arrive $0xFFFF  }
0x2d: {  	[sflag:s0] =	ssyncadd.tile.s32 @!p0 $0x1;
	_ =	shalt  }
.Lfunc_end2:
_tile_overlayer_lowered:
.L_overlay_start_2:
0x2e: {  	(tag) =	ssettag $0x2  }
0x2f: {  	s0 =	rddreg [dreg:$0x0];
	s2 =	stileid.u32  }
0x30: {  	s1 =	rddreg [dreg:$0x1];
	p0 =	sne.s32 s2, $0x0  }
0x31: {  	s3 =	rddreg [dreg:$0x2];
	[bflag:$0x3] =	sbarrier.arrive $0xFFFF;
	s2 =	simm.s32 @!p0 $0x1C01  }
0x32: {  	[timem:s3], [sflag:s2] =	dma.local @!p0 [hbm:s0], s1  }
0x33: {  	s0 =	simm.s32 @!p0 $0x1  }
0x34: {  	_ =	swait.ge @!p0 [sflag:s0], s1  }
0x35: {  	s1 =	ssub.s32 @!p0 $0x0, s1;
	[sflag:s0] =	ssyncset.done @!p0 $0x0  }
0x36: {  	[sflag:s0] =	ssyncadd.s32 @!p0 s1  }
0x37: {  	[bflag:$0x3] =	sbarrier.arrive $0xFFFF  }
0x38: {  	_ =	shalt  }

</sc_bundles>
